<compile_context>
chip_gen: v7x
topology: tpu7x:2x2x1
jax: 0.10.2.dev20260603
libtpu: 0.0.44.dev20260713+nightly
codegen_flags: <defaults>
</compile_context>

<pallas_src>
import functools

import jax
import jax.numpy as jnp
from jax import lax
from jax.experimental import pallas as pl
from jax.experimental.pallas import tpu as pltpu
from jax.experimental.pallas import tpu_sc as plsc


def _router_kernel(x_ref, rw_ref, rb_ref, xaug_ref, pos_ref, cnt_ref,
                   aux_ref, *, T, E, capacity, alpha, q_chunk):
    x = x_ref[...]
    logits = jax.lax.dot_general(
        x, rw_ref[...], (((1,), (1,)), ((), ())),
        preferred_element_type=jnp.float32) + rb_ref[0:1, :]
    m = jnp.max(logits, axis=1, keepdims=True)
    ex = jnp.exp(logits - m)
    probs = ex / jnp.sum(ex, axis=1, keepdims=True)

    p = jnp.max(probs, axis=1, keepdims=True)
    e_iota = jax.lax.broadcasted_iota(jnp.int32, (T, E), 1)
    eidx = jnp.min(jnp.where(probs == p, e_iota, E), axis=1,
                   keepdims=True)

    one_hot_p = jnp.where(e_iota == eidx, p, 0.0)
    f_sum = jnp.sum(one_hot_p, axis=0, keepdims=True)
    p_sum = jnp.sum(probs, axis=0, keepdims=True)
    aux_ref[...] = (alpha * E / (T * T)) * jnp.sum(f_sum * p_sum,
                                                   keepdims=True)

    oh128 = jax.lax.broadcasted_iota(jnp.int32, (T, 128), 1) == eidx
    cnt_f = jnp.sum(jnp.where(oh128, 1.0, 0.0), axis=0, keepdims=True)
    cnt_ref[...] = cnt_f.astype(jnp.int32)

    p_row = jnp.transpose(p)
    e_row = jnp.transpose(eidx)
    k_idx = jax.lax.broadcasted_iota(jnp.int32, (1, T), 1)
    for c0 in range(0, T, q_chunk):
        pq = p[c0:c0 + q_chunk]
        eq = eidx[c0:c0 + q_chunk]
        qi = jax.lax.broadcasted_iota(jnp.int32, (q_chunk, 1), 0) + c0
        ematch = e_row == eq
        before = (p_row > pq) | ((p_row == pq) & (k_idx <= qi))
        mass = jnp.where(before & ematch, p_row, 0.0)
        s = jnp.sum(mass, axis=1, keepdims=True)
        keep = (s <= capacity).astype(jnp.float32)
        scale = keep * pq
        posmask = (e_row < eq) | (ematch & (k_idx < qi))
        posr = jnp.sum(jnp.where(posmask, 1.0, 0.0),
                       axis=1, keepdims=True)
        pos_ref[c0:c0 + q_chunk, :] = posr.astype(jnp.int32)
        xq = x[c0:c0 + q_chunk]
        xaug_ref[c0:c0 + q_chunk, 0:x.shape[1]] = scale * xq
        xaug_ref[c0:c0 + q_chunk, x.shape[1]:] = jnp.where(
            oh128[c0:c0 + q_chunk], scale, 0.0)


def _make_sc_scatter(T, KA, NW, CH):
    mesh = plsc.VectorSubcoreMesh(core_axis_name="c", subcore_axis_name="s")

    @functools.partial(
        pl.kernel, mesh=mesh,
        out_type=jax.ShapeDtypeStruct((T, KA), jnp.float32),
        scratch_types=[
            pltpu.VMEM((CH,), jnp.int32),
            pltpu.VMEM((CH, KA), jnp.float32),
            pltpu.SemaphoreType.DMA,
        ],
    )
    def sc_scatter(xaug_hbm, pos_hbm, xs_hbm, pos_v, rows_v, sem):
        nc = 2
        wid = lax.axis_index("s") * nc + lax.axis_index("c")
        base = wid * CH
        pltpu.sync_copy(pos_hbm.at[pl.ds(base, CH)], pos_v)
        pltpu.sync_copy(xaug_hbm.at[pl.ds(base, CH)], rows_v)
        pltpu.async_copy(rows_v, xs_hbm.at[pos_v], sem).wait()

    return sc_scatter


def _make_sc_gather(T, D, NW, CH):
    mesh = plsc.VectorSubcoreMesh(core_axis_name="c", subcore_axis_name="s")

    @functools.partial(
        pl.kernel, mesh=mesh,
        out_type=jax.ShapeDtypeStruct((T, D), jnp.float32),
        scratch_types=[
            pltpu.VMEM((CH,), jnp.int32),
            pltpu.VMEM((CH, D), jnp.float32),
            pltpu.SemaphoreType.DMA,
        ],
    )
    def sc_gather(ys_hbm, pos_hbm, out_hbm, pos_v, rows_v, sem):
        nc = 2
        wid = lax.axis_index("s") * nc + lax.axis_index("c")
        base = wid * CH
        pltpu.sync_copy(pos_hbm.at[pl.ds(base, CH)], pos_v)
        pltpu.async_copy(ys_hbm.at[pos_v], rows_v, sem).wait()
        pltpu.sync_copy(rows_v, out_hbm.at[pl.ds(base, CH)])

    return sc_gather


def _grouped_kernel(tile_r, eid_r, valid_r, rlo_r, rhi_r, first_r,
                    xs_ref, ew_ref, ebt_ref, ys_ref, *, TB, D):
    s = pl.program_id(0)
    xs = xs_ref[...]
    w = ew_ref[0]
    y = jax.lax.dot_general(xs[:, 0:D], w, (((1,), (1,)), ((), ())),
                            preferred_element_type=jnp.float32)
    bcols = jnp.where(
        jax.lax.broadcasted_iota(jnp.int32, (D, 128), 1) == eid_r[s],
        ebt_ref[0], 0.0)
    y = y + jax.lax.dot_general(xs[:, D:], bcols, (((1,), (1,)), ((), ())),
                                preferred_element_type=jnp.float32)
    r = jax.lax.broadcasted_iota(jnp.int32, (TB, 1), 0) + tile_r[s] * TB
    ok = (valid_r[s] == 1) & (r >= rlo_r[s]) & (r < rhi_r[s])
    contrib = jnp.where(ok, y, 0.0)

    @pl.when(first_r[s] == 1)
    def _():
        ys_ref[...] = contrib

    @pl.when(first_r[s] != 1)
    def _():
        ys_ref[...] += contrib


def kernel(x, router_w, router_b, expert_w, expert_b):
    B, S, D = x.shape
    E = router_w.shape[0]
    T = B * S
    capacity = float(int(T / E * 1.0))
    alpha = 0.01
    KA = D + 128
    NW, CH = 32, T // 32
    TB = 128
    NT = T // TB
    NP = NT + E - 1

    xf = x.reshape(T, D)
    rb2 = router_b.reshape(1, E)

    xaug, pos2, cnt, aux = pl.pallas_call(
        functools.partial(_router_kernel, T=T, E=E, capacity=capacity,
                          alpha=alpha, q_chunk=256),
        out_shape=[
            jax.ShapeDtypeStruct((T, KA), jnp.float32),
            jax.ShapeDtypeStruct((T, 1), jnp.int32),
            jax.ShapeDtypeStruct((1, 128), jnp.int32),
            jax.ShapeDtypeStruct((1, 1), jnp.float32),
        ],
    )(xf, router_w, rb2)

    counts = cnt[0, :E]
    off = jnp.concatenate([jnp.zeros((1,), jnp.int32), jnp.cumsum(counts)])
    tile_lo = off[:E] // TB
    tile_hi = jnp.maximum(off[1:] - 1, 0) // TB
    ntiles = jnp.where(counts > 0, tile_hi - tile_lo + 1, 0)
    pstart = jnp.concatenate([jnp.zeros((1,), jnp.int32),
                              jnp.cumsum(ntiles)])
    ptot = pstart[E]
    sidx = jnp.arange(NP, dtype=jnp.int32)
    e_s = jnp.sum((sidx[:, None] >= pstart[None, :E]).astype(jnp.int32),
                  axis=1) - 1
    valid = (sidx < ptot).astype(jnp.int32)
    e_s = jnp.where(valid == 1, e_s, E - 1)
    tile_s = jnp.where(valid == 1, tile_lo[e_s] + (sidx - pstart[e_s]),
                       NT - 1)
    rlo = off[e_s]
    rhi = off[e_s + 1]
    prev = jnp.concatenate([jnp.full((1,), -1, jnp.int32), tile_s[:-1]])
    first = ((tile_s != prev) & (valid == 1)).astype(jnp.int32)

    pos = pos2.reshape(T)
    xs = _make_sc_scatter(T, KA, NW, CH)(xaug, pos)

    grid_spec = pltpu.PrefetchScalarGridSpec(
        num_scalar_prefetch=6,
        grid=(NP,),
        in_specs=[
            pl.BlockSpec((TB, KA), lambda s, t, e, v, l, h, f: (t[s], 0)),
            pl.BlockSpec((1, D, D), lambda s, t, e, v, l, h, f: (e[s], 0, 0)),
            pl.BlockSpec((1, D, 1), lambda s, t, e, v, l, h, f: (e[s], 0, 0)),
        ],
        out_specs=pl.BlockSpec((TB, D), lambda s, t, e, v, l, h, f: (t[s], 0)),
    )
    ys = pl.pallas_call(
        functools.partial(_grouped_kernel, TB=TB, D=D),
        grid_spec=grid_spec,
        out_shape=jax.ShapeDtypeStruct((T, D), jnp.float32),
    )(tile_s, e_s, valid, rlo, rhi, first,
      xs, expert_w, expert_b.reshape(E, D, 1))

    out = _make_sc_gather(T, D, NW, CH)(ys, pos)
    return out.reshape(B, S, D), aux[0, 0]

# --- scband reference (transcript-rebuilt; emitter-appended) ---
"""Pipeline reference for scband-switch-layer-70214125355036 (READ-ONLY COPY).

The authoritative reference and input builder live on the scoring server;
editing this copy changes nothing except your own understanding.
"""

import jax, jax.numpy as jnp
import numpy as np

B, S, D, E = 1, 2048, 768, 8
CAPACITY_FACTOR = 1.0
ALPHA = 0.01


def setup_inputs(seed: int = 0) -> dict:
    key = jax.random.key(seed)
    k1, k2, k3, k4, k5 = jax.random.split(key, 5)
    x = jax.random.normal(k1, (B, S, D), dtype=jnp.float32)
    s = 1.0 / np.sqrt(D)
    router_w = jax.random.uniform(k2, (E, D), minval=-s, maxval=s, dtype=jnp.float32)
    router_b = jax.random.uniform(k3, (E,), minval=-s, maxval=s, dtype=jnp.float32)
    expert_w = jax.random.uniform(k4, (E, D, D), minval=-s, maxval=s, dtype=jnp.float32)
    expert_b = jax.random.uniform(k5, (E, D), minval=-s, maxval=s, dtype=jnp.float32)
    return {"x": x, "router_w": router_w, "router_b": router_b, "expert_w": expert_w, "expert_b": expert_b}


def reference(x, router_w, router_b, expert_w, expert_b):
    b, s, d = x.shape
    e = router_w.shape[0]
    T = b * s
    expert_capacity = int(T / e * CAPACITY_FACTOR)

    # Router: linear + softmax
    logits = jnp.einsum('bsd,ed->bse', x, router_w) + router_b
    expert_probs = jax.nn.softmax(logits, axis=-1)

    # top-1 routing: scatter top prob at top index
    top_prob = jnp.max(expert_probs, axis=-1)
    top_idx = jnp.argmax(expert_probs, axis=-1)
    routed_experts = jax.nn.one_hot(top_idx, e, dtype=expert_probs.dtype) * top_prob[..., None]

    # auxiliary load-balancing loss
    f_i = routed_experts.sum((0, 1)) / T
    P_i = expert_probs.sum((0, 1)) / T
    aux_loss = ALPHA * e * (f_i * P_i).sum()

    # capacity enforcement via full descending sort per expert column
    flat_routed = routed_experts.reshape(T, e)
    sort_indices = jnp.argsort(-flat_routed, axis=0)
    sorted_probs = jnp.take_along_axis(flat_routed, sort_indices, axis=0)
    cumulative_allocation = jnp.cumsum(sorted_probs, axis=0)
    capacity_mask = (cumulative_allocation <= expert_capacity).astype(flat_routed.dtype)
    capped = capacity_mask * sorted_probs
    cols = jnp.broadcast_to(jnp.arange(e), (T, e))
    routed_experts = jnp.zeros_like(flat_routed).at[sort_indices, cols].set(capped).reshape(expert_probs.shape)

    assigned_tokens = routed_experts.sum(axis=-1) > 0
    routed_probs = expert_probs * assigned_tokens[..., None].astype(expert_probs.dtype)

    # SwitchLayer expert dispatch
    prob = jnp.max(routed_probs, axis=-1).reshape(T)
    idx = jnp.argmax(routed_probs, axis=-1).reshape(T)
    active = (routed_probs.sum(axis=-1) > 0).reshape(T)
    flat_x = x.reshape(T, d)
    out = jnp.zeros_like(flat_x)
    for ei in range(e):
        m = ((idx == ei) & active).astype(flat_x.dtype)
        ye = flat_x @ expert_w[ei].T + expert_b[ei]
        out = out + m[:, None] * ye
    out = out * (prob * active.astype(prob.dtype))[:, None]
    output = out.reshape(b, s, d)
    return (output, aux_loss)

if __name__ == "__main__":
    import jax
    _d = setup_inputs()
    print(jax.jit(kernel)(*tuple(_d.values())))

</pallas_src>

<mosaic_0001>
#map = affine_map<(d0, d1) -> (0, 0)>
#map1 = affine_map<(d0, d1) -> (0)>
module attributes {stable_mosaic.version = 14 : i64} {
  func.func @sc_scatter(%arg0: i32, %arg1: i32, %arg2: memref<2048x896xf32, #tpu.memory_space<hbm>>, %arg3: memref<2048xi32, #tpu.memory_space<hbm>>, %arg4: memref<2048x896xf32, #tpu.memory_space<hbm>>, %arg5: memref<64xi32, #tpu.memory_space<vmem>>, %arg6: memref<64x896xf32, #tpu.memory_space<vmem>>, %arg7: memref<!tpu.dma_semaphore, #tpu.memory_space<semaphore_mem>>) attributes {dimension_semantics = [#tpu.dimension_semantics<core_parallel>, #tpu.dimension_semantics<subcore_parallel>], iteration_bounds = array<i64: 2, 16>, scalar_prefetch = 0 : i64, scratch_operands = 3 : i64, tpu.core_type = #tpu.core_type<sc_vector_subcore>, window_params = [{transform_indices = #map}, {transform_indices = #map1}, {transform_indices = #map}]} {
    %mul3A = arith.constant 2 : i32
    %mul3A_0 = arith.muli %arg1, %mul3A : i32
    %add3A = arith.addi %mul3A_0, %arg0 : i32
    %mul3A_1 = arith.constant 64 : i32
    %mul3A_2 = arith.muli %add3A, %mul3A_1 : i32
    "tpu.region"() ({
      %run_scoped3A = tpu.sem_alloc : memref<!tpu.dma_semaphore, #tpu.memory_space<semaphore_mem>>
      %dma_start3A_7 = tpu.memref_slice %arg3[%mul3A_2] : memref<2048xi32, #tpu.memory_space<hbm>> -> memref<64xi32, #tpu.memory_space<hbm>>
      %dma_start3A_8 = tpu.memref_slice %arg3[%mul3A_2] : memref<2048xi32, #tpu.memory_space<hbm>> -> memref<64xi32, #tpu.memory_space<hbm>>
      tpu.enqueue_dma source(%dma_start3A_8 : memref<64xi32, #tpu.memory_space<hbm>>) target(%arg5 : memref<64xi32, #tpu.memory_space<vmem>>) target_semaphore(%run_scoped3A : memref<!tpu.dma_semaphore, #tpu.memory_space<semaphore_mem>>)
      %dma_wait3A_9 = tpu.memref_slice %arg3[%mul3A_2] : memref<2048xi32, #tpu.memory_space<hbm>> -> memref<64xi32, #tpu.memory_space<hbm>>
      %dma_wait3A_10 = tpu.memref_slice %arg3[%mul3A_2] : memref<2048xi32, #tpu.memory_space<hbm>> -> memref<64xi32, #tpu.memory_space<hbm>>
      tpu.wait_dma2 semaphore(%run_scoped3A : memref<!tpu.dma_semaphore, #tpu.memory_space<semaphore_mem>>) src(%dma_wait3A_10 : memref<64xi32, #tpu.memory_space<hbm>>) dst(%arg5 : memref<64xi32, #tpu.memory_space<vmem>>)
      tpu.yield
    }) : () -> ()
    "tpu.region"() ({
      %run_scoped3A = tpu.sem_alloc : memref<!tpu.dma_semaphore, #tpu.memory_space<semaphore_mem>>
      %dma_start3A_7 = arith.constant 0 : i32
      %dma_start3A_8 = tpu.memref_slice %arg2[%mul3A_2, %dma_start3A_7] : memref<2048x896xf32, #tpu.memory_space<hbm>> -> memref<64x896xf32, #tpu.memory_space<hbm>>
      %dma_start3A_9 = arith.constant 0 : i32
      %dma_start3A_10 = tpu.memref_slice %arg2[%mul3A_2, %dma_start3A_9] : memref<2048x896xf32, #tpu.memory_space<hbm>> -> memref<64x896xf32, #tpu.memory_space<hbm>>
      tpu.enqueue_dma source(%dma_start3A_10 : memref<64x896xf32, #tpu.memory_space<hbm>>) target(%arg6 : memref<64x896xf32, #tpu.memory_space<vmem>>) target_semaphore(%run_scoped3A : memref<!tpu.dma_semaphore, #tpu.memory_space<semaphore_mem>>)
      %dma_wait3A_11 = arith.constant 0 : i32
      %dma_wait3A_12 = tpu.memref_slice %arg2[%mul3A_2, %dma_wait3A_11] : memref<2048x896xf32, #tpu.memory_space<hbm>> -> memref<64x896xf32, #tpu.memory_space<hbm>>
      %dma_wait3A_13 = arith.constant 0 : i32
      %dma_wait3A_14 = tpu.memref_slice %arg2[%mul3A_2, %dma_wait3A_13] : memref<2048x896xf32, #tpu.memory_space<hbm>> -> memref<64x896xf32, #tpu.memory_space<hbm>>
      tpu.wait_dma2 semaphore(%run_scoped3A : memref<!tpu.dma_semaphore, #tpu.memory_space<semaphore_mem>>) src(%dma_wait3A_14 : memref<64x896xf32, #tpu.memory_space<hbm>>) dst(%arg6 : memref<64x896xf32, #tpu.memory_space<vmem>>)
      tpu.yield
    }) : () -> ()
    %dma_start3A = arith.constant 0 : i32
    %dma_start3A_3 = arith.constant 0 : i32
    %dma_start3A_4 = tpu.memref_slice %arg4[%dma_start3A, %dma_start3A_3] : memref<2048x896xf32, #tpu.memory_space<hbm>> -> memref<2048x896xf32, #tpu.memory_space<hbm>>
    tpu.enqueue_indirect_dma source(%arg6 : memref<64x896xf32, #tpu.memory_space<vmem>>) target(%dma_start3A_4 : memref<2048x896xf32, #tpu.memory_space<hbm>>) offsets(%arg5 : memref<64xi32, #tpu.memory_space<vmem>>) semaphore(%arg7 : memref<!tpu.dma_semaphore, #tpu.memory_space<semaphore_mem>>)
    %dma_wait3A = arith.constant 0 : i32
    %dma_wait3A_5 = arith.constant 0 : i32
    %dma_wait3A_6 = tpu.memref_slice %arg4[%dma_wait3A, %dma_wait3A_5] : memref<2048x896xf32, #tpu.memory_space<hbm>> -> memref<2048x896xf32, #tpu.memory_space<hbm>>
    tpu.wait_indirect_dma semaphore(%arg7 : memref<!tpu.dma_semaphore, #tpu.memory_space<semaphore_mem>>) src(%arg6 : memref<64x896xf32, #tpu.memory_space<vmem>>) dst(%dma_wait3A_6 : memref<2048x896xf32, #tpu.memory_space<hbm>>)
    return
  }
}

#map = affine_map<(d0, d1) -> (0, 0)>
#map1 = affine_map<(d0, d1) -> (0)>
module attributes {stable_mosaic.version = 14 : i64} {
  func.func @sc_gather(%arg0: i32, %arg1: i32, %arg2: memref<2048x768xf32, #tpu.memory_space<hbm>>, %arg3: memref<2048xi32, #tpu.memory_space<hbm>>, %arg4: memref<2048x768xf32, #tpu.memory_space<hbm>>, %arg5: memref<64xi32, #tpu.memory_space<vmem>>, %arg6: memref<64x768xf32, #tpu.memory_space<vmem>>, %arg7: memref<!tpu.dma_semaphore, #tpu.memory_space<semaphore_mem>>) attributes {dimension_semantics = [#tpu.dimension_semantics<core_parallel>, #tpu.dimension_semantics<subcore_parallel>], iteration_bounds = array<i64: 2, 16>, scalar_prefetch = 0 : i64, scratch_operands = 3 : i64, tpu.core_type = #tpu.core_type<sc_vector_subcore>, window_params = [{transform_indices = #map}, {transform_indices = #map1}, {transform_indices = #map}]} {
    %mul3A = arith.constant 2 : i32
    %mul3A_0 = arith.muli %arg1, %mul3A : i32
    %add3A = arith.addi %mul3A_0, %arg0 : i32
    %mul3A_1 = arith.constant 64 : i32
    %mul3A_2 = arith.muli %add3A, %mul3A_1 : i32
    "tpu.region"() ({
      %run_scoped3A = tpu.sem_alloc : memref<!tpu.dma_semaphore, #tpu.memory_space<semaphore_mem>>
      %dma_start3A_7 = tpu.memref_slice %arg3[%mul3A_2] : memref<2048xi32, #tpu.memory_space<hbm>> -> memref<64xi32, #tpu.memory_space<hbm>>
      %dma_start3A_8 = tpu.memref_slice %arg3[%mul3A_2] : memref<2048xi32, #tpu.memory_space<hbm>> -> memref<64xi32, #tpu.memory_space<hbm>>
      tpu.enqueue_dma source(%dma_start3A_8 : memref<64xi32, #tpu.memory_space<hbm>>) target(%arg5 : memref<64xi32, #tpu.memory_space<vmem>>) target_semaphore(%run_scoped3A : memref<!tpu.dma_semaphore, #tpu.memory_space<semaphore_mem>>)
      %dma_wait3A_9 = tpu.memref_slice %arg3[%mul3A_2] : memref<2048xi32, #tpu.memory_space<hbm>> -> memref<64xi32, #tpu.memory_space<hbm>>
      %dma_wait3A_10 = tpu.memref_slice %arg3[%mul3A_2] : memref<2048xi32, #tpu.memory_space<hbm>> -> memref<64xi32, #tpu.memory_space<hbm>>
      tpu.wait_dma2 semaphore(%run_scoped3A : memref<!tpu.dma_semaphore, #tpu.memory_space<semaphore_mem>>) src(%dma_wait3A_10 : memref<64xi32, #tpu.memory_space<hbm>>) dst(%arg5 : memref<64xi32, #tpu.memory_space<vmem>>)
      tpu.yield
    }) : () -> ()
    %dma_start3A = arith.constant 0 : i32
    %dma_start3A_3 = arith.constant 0 : i32
    %dma_start3A_4 = tpu.memref_slice %arg2[%dma_start3A, %dma_start3A_3] : memref<2048x768xf32, #tpu.memory_space<hbm>> -> memref<2048x768xf32, #tpu.memory_space<hbm>>
    tpu.enqueue_indirect_dma source(%dma_start3A_4 : memref<2048x768xf32, #tpu.memory_space<hbm>>) target(%arg6 : memref<64x768xf32, #tpu.memory_space<vmem>>) offsets(%arg5 : memref<64xi32, #tpu.memory_space<vmem>>) semaphore(%arg7 : memref<!tpu.dma_semaphore, #tpu.memory_space<semaphore_mem>>)
    %dma_wait3A = arith.constant 0 : i32
    %dma_wait3A_5 = arith.constant 0 : i32
    %dma_wait3A_6 = tpu.memref_slice %arg2[%dma_wait3A, %dma_wait3A_5] : memref<2048x768xf32, #tpu.memory_space<hbm>> -> memref<2048x768xf32, #tpu.memory_space<hbm>>
    tpu.wait_indirect_dma semaphore(%arg7 : memref<!tpu.dma_semaphore, #tpu.memory_space<semaphore_mem>>) src(%dma_wait3A_6 : memref<2048x768xf32, #tpu.memory_space<hbm>>) dst(%arg6 : memref<64x768xf32, #tpu.memory_space<vmem>>)
    "tpu.region"() ({
      %run_scoped3A = tpu.sem_alloc : memref<!tpu.dma_semaphore, #tpu.memory_space<semaphore_mem>>
      %dma_start3A_7 = arith.constant 0 : i32
      %dma_start3A_8 = tpu.memref_slice %arg4[%mul3A_2, %dma_start3A_7] : memref<2048x768xf32, #tpu.memory_space<hbm>> -> memref<64x768xf32, #tpu.memory_space<hbm>>
      %dma_start3A_9 = arith.constant 0 : i32
      %dma_start3A_10 = tpu.memref_slice %arg4[%mul3A_2, %dma_start3A_9] : memref<2048x768xf32, #tpu.memory_space<hbm>> -> memref<64x768xf32, #tpu.memory_space<hbm>>
      tpu.enqueue_dma source(%arg6 : memref<64x768xf32, #tpu.memory_space<vmem>>) target(%dma_start3A_10 : memref<64x768xf32, #tpu.memory_space<hbm>>) target_semaphore(%run_scoped3A : memref<!tpu.dma_semaphore, #tpu.memory_space<semaphore_mem>>)
      %dma_wait3A_11 = arith.constant 0 : i32
      %dma_wait3A_12 = tpu.memref_slice %arg4[%mul3A_2, %dma_wait3A_11] : memref<2048x768xf32, #tpu.memory_space<hbm>> -> memref<64x768xf32, #tpu.memory_space<hbm>>
      %dma_wait3A_13 = arith.constant 0 : i32
      %dma_wait3A_14 = tpu.memref_slice %arg4[%mul3A_2, %dma_wait3A_13] : memref<2048x768xf32, #tpu.memory_space<hbm>> -> memref<64x768xf32, #tpu.memory_space<hbm>>
      tpu.wait_dma2 semaphore(%run_scoped3A : memref<!tpu.dma_semaphore, #tpu.memory_space<semaphore_mem>>) src(%arg6 : memref<64x768xf32, #tpu.memory_space<vmem>>) dst(%dma_wait3A_14 : memref<64x768xf32, #tpu.memory_space<hbm>>)
      tpu.yield
    }) : () -> ()
    return
  }
}

module attributes {stable_mosaic.version = 14 : i64} {
  func.func @_router_kernel(%arg0: memref<2048x768xf32, #tpu.memory_space<vmem>>, %arg1: memref<8x768xf32, #tpu.memory_space<vmem>>, %arg2: memref<1x8xf32, #tpu.memory_space<vmem>>, %arg3: memref<2048x896xf32, #tpu.memory_space<vmem>>, %arg4: memref<2048x1xi32, #tpu.memory_space<vmem>>, %arg5: memref<1x128xi32, #tpu.memory_space<vmem>>, %arg6: memref<1x1xf32, #tpu.memory_space<vmem>>) attributes {dimension_semantics = [], scalar_prefetch = 0 : i64, scratch_operands = 0 : i64, tpu.core_type = #tpu.core_type<tc>} {
    %get3A = arith.constant 0 : index
    %get3A_0 = arith.constant 0 : index
    %get3A_1 = vector.load %arg0[%get3A, %get3A_0] : memref<2048x768xf32, #tpu.memory_space<vmem>>, vector<2048x768xf32>
    %get3A_2 = arith.constant 0 : index
    %get3A_3 = arith.constant 0 : index
    %get3A_4 = vector.load %arg1[%get3A_2, %get3A_3] : memref<8x768xf32, #tpu.memory_space<vmem>>, vector<8x768xf32>
    %dot_general3A = arith.constant dense<0.000000e+00> : vector<2048x8xf32>
    %dot_general3A_5 = tpu.matmul %get3A_1, %get3A_4, %dot_general3A {dimension_numbers = #tpu.dot_dimension_numbers<[1], [1], [0], [0], [0, 0, 1, 0], [], []>, transpose_lhs_hint = false} : vector<2048x768xf32>, vector<8x768xf32>, vector<2048x8xf32> -> vector<2048x8xf32>
    %get3A_6 = arith.constant 0 : index
    %get3A_7 = arith.constant 0 : index
    %get3A_8 = vector.load %arg2[%get3A_6, %get3A_7] : memref<1x8xf32, #tpu.memory_space<vmem>>, vector<1x8xf32>
    %add3A = vector.broadcast %get3A_8 : vector<1x8xf32> to vector<2048x8xf32>
    %add3A_9 = arith.addf %dot_general3A_5, %add3A : vector<2048x8xf32>
    %reduce_max3A = arith.constant dense<0xFF800000> : vector<2048xf32>
    %reduce_max3A_10 = vector.multi_reduction <maximumf>, %add3A_9, %reduce_max3A [1] : vector<2048x8xf32> to vector<2048xf32>
    %broadcast_in_dim3A = vector.shape_cast %reduce_max3A_10 : vector<2048xf32> to vector<2048x1xf32>
    %sub3A = vector.broadcast %broadcast_in_dim3A : vector<2048x1xf32> to vector<2048x8xf32>
    %sub3A_11 = arith.subf %add3A_9, %sub3A : vector<2048x8xf32>
    %exp3A = math.exp %sub3A_11 : vector<2048x8xf32>
    %reduce_sum3A = arith.constant dense<0.000000e+00> : vector<2048xf32>
    %reduce_sum3A_12 = vector.multi_reduction <add>, %exp3A, %reduce_sum3A [1] : vector<2048x8xf32> to vector<2048xf32>
    %broadcast_in_dim3A_13 = vector.shape_cast %reduce_sum3A_12 : vector<2048xf32> to vector<2048x1xf32>
    %div3A = vector.broadcast %broadcast_in_dim3A_13 : vector<2048x1xf32> to vector<2048x8xf32>
    %div3A_14 = arith.divf %exp3A, %div3A : vector<2048x8xf32>
    %reduce_max3A_15 = arith.constant dense<0xFF800000> : vector<2048xf32>
    %reduce_max3A_16 = vector.multi_reduction <maximumf>, %div3A_14, %reduce_max3A_15 [1] : vector<2048x8xf32> to vector<2048xf32>
    %broadcast_in_dim3A_17 = vector.shape_cast %reduce_max3A_16 : vector<2048xf32> to vector<2048x1xf32>
    %iota3A = tpu.iota {dimensions = array<i32: 1>} : vector<2048x8xi32>
    %eq3A = vector.broadcast %broadcast_in_dim3A_17 : vector<2048x1xf32> to vector<2048x8xf32>
    %eq3A_18 = arith.cmpf oeq, %div3A_14, %eq3A : vector<2048x8xf32>
    %jit3A = arith.constant 8 : i32
    %broadcast_in_dim3A_19 = vector.broadcast %jit3A : i32 to vector<2048x8xi32>
    %select_n3A = arith.select %eq3A_18, %iota3A, %broadcast_in_dim3A_19 : vector<2048x8xi1>, vector<2048x8xi32>
    %reduce_min3A = arith.constant dense<2147483647> : vector<2048xi32>
    %reduce_min3A_20 = vector.multi_reduction <minsi>, %select_n3A, %reduce_min3A [1] : vector<2048x8xi32> to vector<2048xi32>
    %broadcast_in_dim3A_21 = vector.shape_cast %reduce_min3A_20 : vector<2048xi32> to vector<2048x1xi32>
    %eq3A_22 = vector.broadcast %broadcast_in_dim3A_21 : vector<2048x1xi32> to vector<2048x8xi32>
    %eq3A_23 = arith.cmpi eq, %iota3A, %eq3A_22 : vector<2048x8xi32>
    %jit3A_24 = arith.constant 0.000000e+00 : f32
    %broadcast_in_dim3A_25 = vector.shape_cast %broadcast_in_dim3A_17 : vector<2048x1xf32> to vector<2048x1xf32>
    %broadcast_in_dim3A_26 = vector.broadcast %broadcast_in_dim3A_25 : vector<2048x1xf32> to vector<2048x8xf32>
    %broadcast_in_dim3A_27 = vector.broadcast %jit3A_24 : f32 to vector<2048x8xf32>
    %select_n3A_28 = arith.select %eq3A_23, %broadcast_in_dim3A_26, %broadcast_in_dim3A_27 : vector<2048x8xi1>, vector<2048x8xf32>
    %reduce_sum3A_29 = arith.constant dense<0.000000e+00> : vector<8xf32>
    %reduce_sum3A_30 = vector.multi_reduction <add>, %select_n3A_28, %reduce_sum3A_29 [0] : vector<2048x8xf32> to vector<8xf32>
    %broadcast_in_dim3A_31 = vector.shape_cast %reduce_sum3A_30 : vector<8xf32> to vector<1x8xf32>
    %reduce_sum3A_32 = arith.constant dense<0.000000e+00> : vector<8xf32>
    %reduce_sum3A_33 = vector.multi_reduction <add>, %div3A_14, %reduce_sum3A_32 [0] : vector<2048x8xf32> to vector<8xf32>
    %broadcast_in_dim3A_34 = vector.shape_cast %reduce_sum3A_33 : vector<8xf32> to vector<1x8xf32>
    %mul3A = arith.mulf %broadcast_in_dim3A_31, %broadcast_in_dim3A_34 : vector<1x8xf32>
    %reduce_sum3A_35 = vector.shape_cast %mul3A : vector<1x8xf32> to vector<1x1x8xf32>
    %reduce_sum3A_36 = arith.constant dense<0.000000e+00> : vector<1xf32>
    %reduce_sum3A_37 = vector.multi_reduction <add>, %reduce_sum3A_35, %reduce_sum3A_36 [1, 2] : vector<1x1x8xf32> to vector<1xf32>
    %reduce_sum3A_38 = vector.shape_cast %reduce_sum3A_37 : vector<1xf32> to vector<1x1x1xf32>
    %reduce_sum3A_39 = vector.extract %reduce_sum3A_38[0, 0, 0] : f32 from vector<1x1x1xf32>
    %broadcast_in_dim3A_40 = vector.broadcast %reduce_sum3A_39 : f32 to vector<1x1xf32>
    %mul3A_41 = arith.constant 1.90734859E-8 : f32
    %mul3A_42 = vector.broadcast %mul3A_41 : f32 to vector<1x1xf32>
    %mul3A_43 = arith.mulf %mul3A_42, %broadcast_in_dim3A_40 : vector<1x1xf32>
    %swap3A = arith.constant 0 : index
    %swap3A_44 = arith.constant 0 : index
    %swap3A_45 = vector.load %arg6[%swap3A, %swap3A_44] : memref<1x1xf32, #tpu.memory_space<vmem>>, vector<1x1xf32>
    tpu.vector_store %arg6[%swap3A, %swap3A_44], %mul3A_43 {strides = array<i32>} : memref<1x1xf32, #tpu.memory_space<vmem>>, vector<1x1xf32>,
    %iota3A_46 = tpu.iota {dimensions = array<i32: 1>} : vector<2048x128xi32>
    %eq3A_47 = vector.broadcast %broadcast_in_dim3A_21 : vector<2048x1xi32> to vector<2048x128xi32>
    %eq3A_48 = arith.cmpi eq, %iota3A_46, %eq3A_47 : vector<2048x128xi32>
    %jit3A_49 = arith.constant 1.000000e+00 : f32
    %jit3A_50 = arith.constant 0.000000e+00 : f32
    %broadcast_in_dim3A_51 = vector.broadcast %jit3A_49 : f32 to vector<2048x128xf32>
    %broadcast_in_dim3A_52 = vector.broadcast %jit3A_50 : f32 to vector<2048x128xf32>
    %select_n3A_53 = arith.select %eq3A_48, %broadcast_in_dim3A_51, %broadcast_in_dim3A_52 : vector<2048x128xi1>, vector<2048x128xf32>
    %reduce_sum3A_54 = arith.constant dense<0.000000e+00> : vector<128xf32>
    %reduce_sum3A_55 = vector.multi_reduction <add>, %select_n3A_53, %reduce_sum3A_54 [0] : vector<2048x128xf32> to vector<128xf32>
    %broadcast_in_dim3A_56 = vector.shape_cast %reduce_sum3A_55 : vector<128xf32> to vector<1x128xf32>
    %convert_element_type3A = arith.fptosi %broadcast_in_dim3A_56 : vector<1x128xf32> to vector<1x128xi32>
    %swap3A_57 = arith.constant 0 : index
    %swap3A_58 = arith.constant 0 : index
    %swap3A_59 = vector.load %arg5[%swap3A_57, %swap3A_58] : memref<1x128xi32, #tpu.memory_space<vmem>>, vector<1x128xi32>
    tpu.vector_store %arg5[%swap3A_57, %swap3A_58], %convert_element_type3A {strides = array<i32>} : memref<1x128xi32, #tpu.memory_space<vmem>>, vector<1x128xi32>,
    %transpose3A = tpu.transpose %broadcast_in_dim3A_17, [1, 0] : vector<2048x1xf32> -> vector<1x2048xf32>
    %transpose3A_60 = tpu.transpose %broadcast_in_dim3A_21, [1, 0] : vector<2048x1xi32> -> vector<1x2048xi32>
    %iota3A_61 = tpu.iota {dimensions = array<i32: 1>} : vector<1x2048xi32>
    %slice3A = vector.extract_strided_slice %broadcast_in_dim3A_17 {offsets = [0, 0], sizes = [256, 1], strides = [1, 1]} : vector<2048x1xf32> to vector<256x1xf32>
    %slice3A_62 = vector.extract_strided_slice %broadcast_in_dim3A_21 {offsets = [0, 0], sizes = [256, 1], strides = [1, 1]} : vector<2048x1xi32> to vector<256x1xi32>
    %iota3A_63 = tpu.iota {dimensions = array<i32: 0>} : vector<256x1xi32>
    %add3A_64 = arith.constant 0 : i32
    %add3A_65 = vector.broadcast %add3A_64 : i32 to vector<256x1xi32>
    %add3A_66 = arith.addi %iota3A_63, %add3A_65 : vector<256x1xi32>
    %eq3A_67 = vector.broadcast %transpose3A_60 : vector<1x2048xi32> to vector<256x2048xi32>
    %eq3A_68 = vector.broadcast %slice3A_62 : vector<256x1xi32> to vector<256x2048xi32>
    %eq3A_69 = arith.cmpi eq, %eq3A_67, %eq3A_68 : vector<256x2048xi32>
    %gt3A = vector.broadcast %transpose3A : vector<1x2048xf32> to vector<256x2048xf32>
    %gt3A_70 = vector.broadcast %slice3A : vector<256x1xf32> to vector<256x2048xf32>
    %gt3A_71 = arith.cmpf ogt, %gt3A, %gt3A_70 : vector<256x2048xf32>
    %eq3A_72 = vector.broadcast %transpose3A : vector<1x2048xf32> to vector<256x2048xf32>
    %eq3A_73 = vector.broadcast %slice3A : vector<256x1xf32> to vector<256x2048xf32>
    %eq3A_74 = arith.cmpf oeq, %eq3A_72, %eq3A_73 : vector<256x2048xf32>
    %le3A = vector.broadcast %iota3A_61 : vector<1x2048xi32> to vector<256x2048xi32>
    %le3A_75 = vector.broadcast %add3A_66 : vector<256x1xi32> to vector<256x2048xi32>
    %le3A_76 = arith.cmpi sle, %le3A, %le3A_75 : vector<256x2048xi32>
    %and3A = arith.andi %eq3A_74, %le3A_76 : vector<256x2048xi1>
    %or3A = arith.ori %gt3A_71, %and3A : vector<256x2048xi1>
    %and3A_77 = arith.andi %or3A, %eq3A_69 : vector<256x2048xi1>
    %jit3A_78 = arith.constant 0.000000e+00 : f32
    %broadcast_in_dim3A_79 = vector.shape_cast %transpose3A : vector<1x2048xf32> to vector<1x2048xf32>
    %broadcast_in_dim3A_80 = vector.broadcast %broadcast_in_dim3A_79 : vector<1x2048xf32> to vector<256x2048xf32>
    %broadcast_in_dim3A_81 = vector.broadcast %jit3A_78 : f32 to vector<256x2048xf32>
    %select_n3A_82 = arith.select %and3A_77, %broadcast_in_dim3A_80, %broadcast_in_dim3A_81 : vector<256x2048xi1>, vector<256x2048xf32>
    %reduce_sum3A_83 = arith.constant dense<0.000000e+00> : vector<256xf32>
    %reduce_sum3A_84 = vector.multi_reduction <add>, %select_n3A_82, %reduce_sum3A_83 [1] : vector<256x2048xf32> to vector<256xf32>
    %broadcast_in_dim3A_85 = vector.shape_cast %reduce_sum3A_84 : vector<256xf32> to vector<256x1xf32>
    %le3A_86 = arith.constant 2.560000e+02 : f32
    %le3A_87 = vector.broadcast %le3A_86 : f32 to vector<256x1xf32>
    %le3A_88 = arith.cmpf ole, %broadcast_in_dim3A_85, %le3A_87 : vector<256x1xf32>
    %convert_element_type3A_89 = arith.extui %le3A_88 : vector<256x1xi1> to vector<256x1xi32>
    %convert_element_type3A_90 = arith.sitofp %convert_element_type3A_89 : vector<256x1xi32> to vector<256x1xf32>
    %mul3A_91 = arith.mulf %convert_element_type3A_90, %slice3A : vector<256x1xf32>
    %lt3A = vector.broadcast %transpose3A_60 : vector<1x2048xi32> to vector<256x2048xi32>
    %lt3A_92 = vector.broadcast %slice3A_62 : vector<256x1xi32> to vector<256x2048xi32>
    %lt3A_93 = arith.cmpi slt, %lt3A, %lt3A_92 : vector<256x2048xi32>
    %lt3A_94 = vector.broadcast %iota3A_61 : vector<1x2048xi32> to vector<256x2048xi32>
    %lt3A_95 = vector.broadcast %add3A_66 : vector<256x1xi32> to vector<256x2048xi32>
    %lt3A_96 = arith.cmpi slt, %lt3A_94, %lt3A_95 : vector<256x2048xi32>
    %and3A_97 = arith.andi %eq3A_69, %lt3A_96 : vector<256x2048xi1>
    %or3A_98 = arith.ori %lt3A_93, %and3A_97 : vector<256x2048xi1>
    %jit3A_99 = arith.constant 1.000000e+00 : f32
    %jit3A_100 = arith.constant 0.000000e+00 : f32
    %broadcast_in_dim3A_101 = vector.broadcast %jit3A_99 : f32 to vector<256x2048xf32>
    %broadcast_in_dim3A_102 = vector.broadcast %jit3A_100 : f32 to vector<256x2048xf32>
    %select_n3A_103 = arith.select %or3A_98, %broadcast_in_dim3A_101, %broadcast_in_dim3A_102 : vector<256x2048xi1>, vector<256x2048xf32>
    %reduce_sum3A_104 = arith.constant dense<0.000000e+00> : vector<256xf32>
    %reduce_sum3A_105 = vector.multi_reduction <add>, %select_n3A_103, %reduce_sum3A_104 [1] : vector<256x2048xf32> to vector<256xf32>
    %broadcast_in_dim3A_106 = vector.shape_cast %reduce_sum3A_105 : vector<256xf32> to vector<256x1xf32>
    %convert_element_type3A_107 = arith.fptosi %broadcast_in_dim3A_106 : vector<256x1xf32> to vector<256x1xi32>
    %swap3A_108 = arith.constant 0 : index
    %swap3A_109 = arith.constant 0 : index
    %swap3A_110 = vector.load %arg4[%swap3A_108, %swap3A_109] : memref<2048x1xi32, #tpu.memory_space<vmem>>, vector<256x1xi32>
    tpu.vector_store %arg4[%swap3A_108, %swap3A_109], %convert_element_type3A_107 {strides = array<i32>} : memref<2048x1xi32, #tpu.memory_space<vmem>>, vector<256x1xi32>,
    %slice3A_111 = vector.extract_strided_slice %get3A_1 {offsets = [0, 0], sizes = [256, 768], strides = [1, 1]} : vector<2048x768xf32> to vector<256x768xf32>
    %mul3A_112 = vector.broadcast %mul3A_91 : vector<256x1xf32> to vector<256x768xf32>
    %mul3A_113 = arith.mulf %mul3A_112, %slice3A_111 : vector<256x768xf32>
    %swap3A_114 = arith.constant 0 : index
    %swap3A_115 = arith.constant 0 : index
    %swap3A_116 = vector.load %arg3[%swap3A_114, %swap3A_115] : memref<2048x896xf32, #tpu.memory_space<vmem>>, vector<256x768xf32>
    tpu.vector_store %arg3[%swap3A_114, %swap3A_115], %mul3A_113 {strides = array<i32>} : memref<2048x896xf32, #tpu.memory_space<vmem>>, vector<256x768xf32>,
    %slice3A_117 = vector.extract_strided_slice %eq3A_48 {offsets = [0, 0], sizes = [256, 128], strides = [1, 1]} : vector<2048x128xi1> to vector<256x128xi1>
    %jit3A_118 = arith.constant 0.000000e+00 : f32
    %broadcast_in_dim3A_119 = vector.shape_cast %mul3A_91 : vector<256x1xf32> to vector<256x1xf32>
    %broadcast_in_dim3A_120 = vector.broadcast %broadcast_in_dim3A_119 : vector<256x1xf32> to vector<256x128xf32>
    %broadcast_in_dim3A_121 = vector.broadcast %jit3A_118 : f32 to vector<256x128xf32>
    %select_n3A_122 = arith.select %slice3A_117, %broadcast_in_dim3A_120, %broadcast_in_dim3A_121 : vector<256x128xi1>, vector<256x128xf32>
    %swap3A_123 = arith.constant 0 : index
    %swap3A_124 = arith.constant 768 : index
    %swap3A_125 = vector.load %arg3[%swap3A_123, %swap3A_124] : memref<2048x896xf32, #tpu.memory_space<vmem>>, vector<256x128xf32>
    tpu.vector_store %arg3[%swap3A_123, %swap3A_124], %select_n3A_122 {strides = array<i32>} : memref<2048x896xf32, #tpu.memory_space<vmem>>, vector<256x128xf32>,
    %slice3A_126 = vector.extract_strided_slice %broadcast_in_dim3A_17 {offsets = [256, 0], sizes = [256, 1], strides = [1, 1]} : vector<2048x1xf32> to vector<256x1xf32>
    %slice3A_127 = vector.extract_strided_slice %broadcast_in_dim3A_21 {offsets = [256, 0], sizes = [256, 1], strides = [1, 1]} : vector<2048x1xi32> to vector<256x1xi32>
    %iota3A_128 = tpu.iota {dimensions = array<i32: 0>} : vector<256x1xi32>
    %add3A_129 = arith.constant 256 : i32
    %add3A_130 = vector.broadcast %add3A_129 : i32 to vector<256x1xi32>
    %add3A_131 = arith.addi %iota3A_128, %add3A_130 : vector<256x1xi32>
    %eq3A_132 = vector.broadcast %transpose3A_60 : vector<1x2048xi32> to vector<256x2048xi32>
    %eq3A_133 = vector.broadcast %slice3A_127 : vector<256x1xi32> to vector<256x2048xi32>
    %eq3A_134 = arith.cmpi eq, %eq3A_132, %eq3A_133 : vector<256x2048xi32>
    %gt3A_135 = vector.broadcast %transpose3A : vector<1x2048xf32> to vector<256x2048xf32>
    %gt3A_136 = vector.broadcast %slice3A_126 : vector<256x1xf32> to vector<256x2048xf32>
    %gt3A_137 = arith.cmpf ogt, %gt3A_135, %gt3A_136 : vector<256x2048xf32>
    %eq3A_138 = vector.broadcast %transpose3A : vector<1x2048xf32> to vector<256x2048xf32>
    %eq3A_139 = vector.broadcast %slice3A_126 : vector<256x1xf32> to vector<256x2048xf32>
    %eq3A_140 = arith.cmpf oeq, %eq3A_138, %eq3A_139 : vector<256x2048xf32>
    %le3A_141 = vector.broadcast %iota3A_61 : vector<1x2048xi32> to vector<256x2048xi32>
    %le3A_142 = vector.broadcast %add3A_131 : vector<256x1xi32> to vector<256x2048xi32>
    %le3A_143 = arith.cmpi sle, %le3A_141, %le3A_142 : vector<256x2048xi32>
    %and3A_144 = arith.andi %eq3A_140, %le3A_143 : vector<256x2048xi1>
    %or3A_145 = arith.ori %gt3A_137, %and3A_144 : vector<256x2048xi1>
    %and3A_146 = arith.andi %or3A_145, %eq3A_134 : vector<256x2048xi1>
    %jit3A_147 = arith.constant 0.000000e+00 : f32
    %broadcast_in_dim3A_148 = vector.shape_cast %transpose3A : vector<1x2048xf32> to vector<1x2048xf32>
    %broadcast_in_dim3A_149 = vector.broadcast %broadcast_in_dim3A_148 : vector<1x2048xf32> to vector<256x2048xf32>
    %broadcast_in_dim3A_150 = vector.broadcast %jit3A_147 : f32 to vector<256x2048xf32>
    %select_n3A_151 = arith.select %and3A_146, %broadcast_in_dim3A_149, %broadcast_in_dim3A_150 : vector<256x2048xi1>, vector<256x2048xf32>
    %reduce_sum3A_152 = arith.constant dense<0.000000e+00> : vector<256xf32>
    %reduce_sum3A_153 = vector.multi_reduction <add>, %select_n3A_151, %reduce_sum3A_152 [1] : vector<256x2048xf32> to vector<256xf32>
    %broadcast_in_dim3A_154 = vector.shape_cast %reduce_sum3A_153 : vector<256xf32> to vector<256x1xf32>
    %le3A_155 = arith.constant 2.560000e+02 : f32
    %le3A_156 = vector.broadcast %le3A_155 : f32 to vector<256x1xf32>
    %le3A_157 = arith.cmpf ole, %broadcast_in_dim3A_154, %le3A_156 : vector<256x1xf32>
    %convert_element_type3A_158 = arith.extui %le3A_157 : vector<256x1xi1> to vector<256x1xi32>
    %convert_element_type3A_159 = arith.sitofp %convert_element_type3A_158 : vector<256x1xi32> to vector<256x1xf32>
    %mul3A_160 = arith.mulf %convert_element_type3A_159, %slice3A_126 : vector<256x1xf32>
    %lt3A_161 = vector.broadcast %transpose3A_60 : vector<1x2048xi32> to vector<256x2048xi32>
    %lt3A_162 = vector.broadcast %slice3A_127 : vector<256x1xi32> to vector<256x2048xi32>
    %lt3A_163 = arith.cmpi slt, %lt3A_161, %lt3A_162 : vector<256x2048xi32>
    %lt3A_164 = vector.broadcast %iota3A_61 : vector<1x2048xi32> to vector<256x2048xi32>
    %lt3A_165 = vector.broadcast %add3A_131 : vector<256x1xi32> to vector<256x2048xi32>
    %lt3A_166 = arith.cmpi slt, %lt3A_164, %lt3A_165 : vector<256x2048xi32>
    %and3A_167 = arith.andi %eq3A_134, %lt3A_166 : vector<256x2048xi1>
    %or3A_168 = arith.ori %lt3A_163, %and3A_167 : vector<256x2048xi1>
    %jit3A_169 = arith.constant 1.000000e+00 : f32
    %jit3A_170 = arith.constant 0.000000e+00 : f32
    %broadcast_in_dim3A_171 = vector.broadcast %jit3A_169 : f32 to vector<256x2048xf32>
    %broadcast_in_dim3A_172 = vector.broadcast %jit3A_170 : f32 to vector<256x2048xf32>
    %select_n3A_173 = arith.select %or3A_168, %broadcast_in_dim3A_171, %broadcast_in_dim3A_172 : vector<256x2048xi1>, vector<256x2048xf32>
    %reduce_sum3A_174 = arith.constant dense<0.000000e+00> : vector<256xf32>
    %reduce_sum3A_175 = vector.multi_reduction <add>, %select_n3A_173, %reduce_sum3A_174 [1] : vector<256x2048xf32> to vector<256xf32>
    %broadcast_in_dim3A_176 = vector.shape_cast %reduce_sum3A_175 : vector<256xf32> to vector<256x1xf32>
    %convert_element_type3A_177 = arith.fptosi %broadcast_in_dim3A_176 : vector<256x1xf32> to vector<256x1xi32>
    %swap3A_178 = arith.constant 256 : index
    %swap3A_179 = arith.constant 0 : index
    %swap3A_180 = vector.load %arg4[%swap3A_178, %swap3A_179] : memref<2048x1xi32, #tpu.memory_space<vmem>>, vector<256x1xi32>
    tpu.vector_store %arg4[%swap3A_178, %swap3A_179], %convert_element_type3A_177 {strides = array<i32>} : memref<2048x1xi32, #tpu.memory_space<vmem>>, vector<256x1xi32>,
    %slice3A_181 = vector.extract_strided_slice %get3A_1 {offsets = [256, 0], sizes = [256, 768], strides = [1, 1]} : vector<2048x768xf32> to vector<256x768xf32>
    %mul3A_182 = vector.broadcast %mul3A_160 : vector<256x1xf32> to vector<256x768xf32>
    %mul3A_183 = arith.mulf %mul3A_182, %slice3A_181 : vector<256x768xf32>
    %swap3A_184 = arith.constant 256 : index
    %swap3A_185 = arith.constant 0 : index
    %swap3A_186 = vector.load %arg3[%swap3A_184, %swap3A_185] : memref<2048x896xf32, #tpu.memory_space<vmem>>, vector<256x768xf32>
    tpu.vector_store %arg3[%swap3A_184, %swap3A_185], %mul3A_183 {strides = array<i32>} : memref<2048x896xf32, #tpu.memory_space<vmem>>, vector<256x768xf32>,
    %slice3A_187 = vector.extract_strided_slice %eq3A_48 {offsets = [256, 0], sizes = [256, 128], strides = [1, 1]} : vector<2048x128xi1> to vector<256x128xi1>
    %jit3A_188 = arith.constant 0.000000e+00 : f32
    %broadcast_in_dim3A_189 = vector.shape_cast %mul3A_160 : vector<256x1xf32> to vector<256x1xf32>
    %broadcast_in_dim3A_190 = vector.broadcast %broadcast_in_dim3A_189 : vector<256x1xf32> to vector<256x128xf32>
    %broadcast_in_dim3A_191 = vector.broadcast %jit3A_188 : f32 to vector<256x128xf32>
    %select_n3A_192 = arith.select %slice3A_187, %broadcast_in_dim3A_190, %broadcast_in_dim3A_191 : vector<256x128xi1>, vector<256x128xf32>
    %swap3A_193 = arith.constant 256 : index
    %swap3A_194 = arith.constant 768 : index
    %swap3A_195 = vector.load %arg3[%swap3A_193, %swap3A_194] : memref<2048x896xf32, #tpu.memory_space<vmem>>, vector<256x128xf32>
    tpu.vector_store %arg3[%swap3A_193, %swap3A_194], %select_n3A_192 {strides = array<i32>} : memref<2048x896xf32, #tpu.memory_space<vmem>>, vector<256x128xf32>,
    %slice3A_196 = vector.extract_strided_slice %broadcast_in_dim3A_17 {offsets = [512, 0], sizes = [256, 1], strides = [1, 1]} : vector<2048x1xf32> to vector<256x1xf32>
    %slice3A_197 = vector.extract_strided_slice %broadcast_in_dim3A_21 {offsets = [512, 0], sizes = [256, 1], strides = [1, 1]} : vector<2048x1xi32> to vector<256x1xi32>
    %iota3A_198 = tpu.iota {dimensions = array<i32: 0>} : vector<256x1xi32>
    %add3A_199 = arith.constant 512 : i32
    %add3A_200 = vector.broadcast %add3A_199 : i32 to vector<256x1xi32>
    %add3A_201 = arith.addi %iota3A_198, %add3A_200 : vector<256x1xi32>
    %eq3A_202 = vector.broadcast %transpose3A_60 : vector<1x2048xi32> to vector<256x2048xi32>
    %eq3A_203 = vector.broadcast %slice3A_197 : vector<256x1xi32> to vector<256x2048xi32>
    %eq3A_204 = arith.cmpi eq, %eq3A_202, %eq3A_203 : vector<256x2048xi32>
    %gt3A_205 = vector.broadcast %transpose3A : vector<1x2048xf32> to vector<256x2048xf32>
    %gt3A_206 = vector.broadcast %slice3A_196 : vector<256x1xf32> to vector<256x2048xf32>
    %gt3A_207 = arith.cmpf ogt, %gt3A_205, %gt3A_206 : vector<256x2048xf32>
    %eq3A_208 = vector.broadcast %transpose3A : vector<1x2048xf32> to vector<256x2048xf32>
    %eq3A_209 = vector.broadcast %slice3A_196 : vector<256x1xf32> to vector<256x2048xf32>
    %eq3A_210 = arith.cmpf oeq, %eq3A_208, %eq3A_209 : vector<256x2048xf32>
    %le3A_211 = vector.broadcast %iota3A_61 : vector<1x2048xi32> to vector<256x2048xi32>
    %le3A_212 = vector.broadcast %add3A_201 : vector<256x1xi32> to vector<256x2048xi32>
    %le3A_213 = arith.cmpi sle, %le3A_211, %le3A_212 : vector<256x2048xi32>
    %and3A_214 = arith.andi %eq3A_210, %le3A_213 : vector<256x2048xi1>
    %or3A_215 = arith.ori %gt3A_207, %and3A_214 : vector<256x2048xi1>
    %and3A_216 = arith.andi %or3A_215, %eq3A_204 : vector<256x2048xi1>
    %jit3A_217 = arith.constant 0.000000e+00 : f32
    %broadcast_in_dim3A_218 = vector.shape_cast %transpose3A : vector<1x2048xf32> to vector<1x2048xf32>
    %broadcast_in_dim3A_219 = vector.broadcast %broadcast_in_dim3A_218 : vector<1x2048xf32> to vector<256x2048xf32>
    %broadcast_in_dim3A_220 = vector.broadcast %jit3A_217 : f32 to vector<256x2048xf32>
    %select_n3A_221 = arith.select %and3A_216, %broadcast_in_dim3A_219, %broadcast_in_dim3A_220 : vector<256x2048xi1>, vector<256x2048xf32>
    %reduce_sum3A_222 = arith.constant dense<0.000000e+00> : vector<256xf32>
    %reduce_sum3A_223 = vector.multi_reduction <add>, %select_n3A_221, %reduce_sum3A_222 [1] : vector<256x2048xf32> to vector<256xf32>
    %broadcast_in_dim3A_224 = vector.shape_cast %reduce_sum3A_223 : vector<256xf32> to vector<256x1xf32>
    %le3A_225 = arith.constant 2.560000e+02 : f32
    %le3A_226 = vector.broadcast %le3A_225 : f32 to vector<256x1xf32>
    %le3A_227 = arith.cmpf ole, %broadcast_in_dim3A_224, %le3A_226 : vector<256x1xf32>
    %convert_element_type3A_228 = arith.extui %le3A_227 : vector<256x1xi1> to vector<256x1xi32>
    %convert_element_type3A_229 = arith.sitofp %convert_element_type3A_228 : vector<256x1xi32> to vector<256x1xf32>
    %mul3A_230 = arith.mulf %convert_element_type3A_229, %slice3A_196 : vector<256x1xf32>
    %lt3A_231 = vector.broadcast %transpose3A_60 : vector<1x2048xi32> to vector<256x2048xi32>
    %lt3A_232 = vector.broadcast %slice3A_197 : vector<256x1xi32> to vector<256x2048xi32>
    %lt3A_233 = arith.cmpi slt, %lt3A_231, %lt3A_232 : vector<256x2048xi32>
    %lt3A_234 = vector.broadcast %iota3A_61 : vector<1x2048xi32> to vector<256x2048xi32>
    %lt3A_235 = vector.broadcast %add3A_201 : vector<256x1xi32> to vector<256x2048xi32>
    %lt3A_236 = arith.cmpi slt, %lt3A_234, %lt3A_235 : vector<256x2048xi32>
    %and3A_237 = arith.andi %eq3A_204, %lt3A_236 : vector<256x2048xi1>
    %or3A_238 = arith.ori %lt3A_233, %and3A_237 : vector<256x2048xi1>
    %jit3A_239 = arith.constant 1.000000e+00 : f32
    %jit3A_240 = arith.constant 0.000000e+00 : f32
    %broadcast_in_dim3A_241 = vector.broadcast %jit3A_239 : f32 to vector<256x2048xf32>
    %broadcast_in_dim3A_242 = vector.broadcast %jit3A_240 : f32 to vector<256x2048xf32>
    %select_n3A_243 = arith.select %or3A_238, %broadcast_in_dim3A_241, %broadcast_in_dim3A_242 : vector<256x2048xi1>, vector<256x2048xf32>
    %reduce_sum3A_244 = arith.constant dense<0.000000e+00> : vector<256xf32>
    %reduce_sum3A_245 = vector.multi_reduction <add>, %select_n3A_243, %reduce_sum3A_244 [1] : vector<256x2048xf32> to vector<256xf32>
    %broadcast_in_dim3A_246 = vector.shape_cast %reduce_sum3A_245 : vector<256xf32> to vector<256x1xf32>
    %convert_element_type3A_247 = arith.fptosi %broadcast_in_dim3A_246 : vector<256x1xf32> to vector<256x1xi32>
    %swap3A_248 = arith.constant 512 : index
    %swap3A_249 = arith.constant 0 : index
    %swap3A_250 = vector.load %arg4[%swap3A_248, %swap3A_249] : memref<2048x1xi32, #tpu.memory_space<vmem>>, vector<256x1xi32>
    tpu.vector_store %arg4[%swap3A_248, %swap3A_249], %convert_element_type3A_247 {strides = array<i32>} : memref<2048x1xi32, #tpu.memory_space<vmem>>, vector<256x1xi32>,
    %slice3A_251 = vector.extract_strided_slice %get3A_1 {offsets = [512, 0], sizes = [256, 768], strides = [1, 1]} : vector<2048x768xf32> to vector<256x768xf32>
    %mul3A_252 = vector.broadcast %mul3A_230 : vector<256x1xf32> to vector<256x768xf32>
    %mul3A_253 = arith.mulf %mul3A_252, %slice3A_251 : vector<256x768xf32>
    %swap3A_254 = arith.constant 512 : index
    %swap3A_255 = arith.constant 0 : index
    %swap3A_256 = vector.load %arg3[%swap3A_254, %swap3A_255] : memref<2048x896xf32, #tpu.memory_space<vmem>>, vector<256x768xf32>
    tpu.vector_store %arg3[%swap3A_254, %swap3A_255], %mul3A_253 {strides = array<i32>} : memref<2048x896xf32, #tpu.memory_space<vmem>>, vector<256x768xf32>,
    %slice3A_257 = vector.extract_strided_slice %eq3A_48 {offsets = [512, 0], sizes = [256, 128], strides = [1, 1]} : vector<2048x128xi1> to vector<256x128xi1>
    %jit3A_258 = arith.constant 0.000000e+00 : f32
    %broadcast_in_dim3A_259 = vector.shape_cast %mul3A_230 : vector<256x1xf32> to vector<256x1xf32>
    %broadcast_in_dim3A_260 = vector.broadcast %broadcast_in_dim3A_259 : vector<256x1xf32> to vector<256x128xf32>
    %broadcast_in_dim3A_261 = vector.broadcast %jit3A_258 : f32 to vector<256x128xf32>
    %select_n3A_262 = arith.select %slice3A_257, %broadcast_in_dim3A_260, %broadcast_in_dim3A_261 : vector<256x128xi1>, vector<256x128xf32>
    %swap3A_263 = arith.constant 512 : index
    %swap3A_264 = arith.constant 768 : index
    %swap3A_265 = vector.load %arg3[%swap3A_263, %swap3A_264] : memref<2048x896xf32, #tpu.memory_space<vmem>>, vector<256x128xf32>
    tpu.vector_store %arg3[%swap3A_263, %swap3A_264], %select_n3A_262 {strides = array<i32>} : memref<2048x896xf32, #tpu.memory_space<vmem>>, vector<256x128xf32>,
    %slice3A_266 = vector.extract_strided_slice %broadcast_in_dim3A_17 {offsets = [768, 0], sizes = [256, 1], strides = [1, 1]} : vector<2048x1xf32> to vector<256x1xf32>
    %slice3A_267 = vector.extract_strided_slice %broadcast_in_dim3A_21 {offsets = [768, 0], sizes = [256, 1], strides = [1, 1]} : vector<2048x1xi32> to vector<256x1xi32>
    %iota3A_268 = tpu.iota {dimensions = array<i32: 0>} : vector<256x1xi32>
    %add3A_269 = arith.constant 768 : i32
    %add3A_270 = vector.broadcast %add3A_269 : i32 to vector<256x1xi32>
    %add3A_271 = arith.addi %iota3A_268, %add3A_270 : vector<256x1xi32>
    %eq3A_272 = vector.broadcast %transpose3A_60 : vector<1x2048xi32> to vector<256x2048xi32>
    %eq3A_273 = vector.broadcast %slice3A_267 : vector<256x1xi32> to vector<256x2048xi32>
    %eq3A_274 = arith.cmpi eq, %eq3A_272, %eq3A_273 : vector<256x2048xi32>
    %gt3A_275 = vector.broadcast %transpose3A : vector<1x2048xf32> to vector<256x2048xf32>
    %gt3A_276 = vector.broadcast %slice3A_266 : vector<256x1xf32> to vector<256x2048xf32>
    %gt3A_277 = arith.cmpf ogt, %gt3A_275, %gt3A_276 : vector<256x2048xf32>
    %eq3A_278 = vector.broadcast %transpose3A : vector<1x2048xf32> to vector<256x2048xf32>
    %eq3A_279 = vector.broadcast %slice3A_266 : vector<256x1xf32> to vector<256x2048xf32>
    %eq3A_280 = arith.cmpf oeq, %eq3A_278, %eq3A_279 : vector<256x2048xf32>
    %le3A_281 = vector.broadcast %iota3A_61 : vector<1x2048xi32> to vector<256x2048xi32>
    %le3A_282 = vector.broadcast %add3A_271 : vector<256x1xi32> to vector<256x2048xi32>
    %le3A_283 = arith.cmpi sle, %le3A_281, %le3A_282 : vector<256x2048xi32>
    %and3A_284 = arith.andi %eq3A_280, %le3A_283 : vector<256x2048xi1>
    %or3A_285 = arith.ori %gt3A_277, %and3A_284 : vector<256x2048xi1>
    %and3A_286 = arith.andi %or3A_285, %eq3A_274 : vector<256x2048xi1>
    %jit3A_287 = arith.constant 0.000000e+00 : f32
    %broadcast_in_dim3A_288 = vector.shape_cast %transpose3A : vector<1x2048xf32> to vector<1x2048xf32>
    %broadcast_in_dim3A_289 = vector.broadcast %broadcast_in_dim3A_288 : vector<1x2048xf32> to vector<256x2048xf32>
    %broadcast_in_dim3A_290 = vector.broadcast %jit3A_287 : f32 to vector<256x2048xf32>
    %select_n3A_291 = arith.select %and3A_286, %broadcast_in_dim3A_289, %broadcast_in_dim3A_290 : vector<256x2048xi1>, vector<256x2048xf32>
    %reduce_sum3A_292 = arith.constant dense<0.000000e+00> : vector<256xf32>
    %reduce_sum3A_293 = vector.multi_reduction <add>, %select_n3A_291, %reduce_sum3A_292 [1] : vector<256x2048xf32> to vector<256xf32>
    %broadcast_in_dim3A_294 = vector.shape_cast %reduce_sum3A_293 : vector<256xf32> to vector<256x1xf32>
    %le3A_295 = arith.constant 2.560000e+02 : f32
    %le3A_296 = vector.broadcast %le3A_295 : f32 to vector<256x1xf32>
    %le3A_297 = arith.cmpf ole, %broadcast_in_dim3A_294, %le3A_296 : vector<256x1xf32>
    %convert_element_type3A_298 = arith.extui %le3A_297 : vector<256x1xi1> to vector<256x1xi32>
    %convert_element_type3A_299 = arith.sitofp %convert_element_type3A_298 : vector<256x1xi32> to vector<256x1xf32>
    %mul3A_300 = arith.mulf %convert_element_type3A_299, %slice3A_266 : vector<256x1xf32>
    %lt3A_301 = vector.broadcast %transpose3A_60 : vector<1x2048xi32> to vector<256x2048xi32>
    %lt3A_302 = vector.broadcast %slice3A_267 : vector<256x1xi32> to vector<256x2048xi32>
    %lt3A_303 = arith.cmpi slt, %lt3A_301, %lt3A_302 : vector<256x2048xi32>
    %lt3A_304 = vector.broadcast %iota3A_61 : vector<1x2048xi32> to vector<256x2048xi32>
    %lt3A_305 = vector.broadcast %add3A_271 : vector<256x1xi32> to vector<256x2048xi32>
    %lt3A_306 = arith.cmpi slt, %lt3A_304, %lt3A_305 : vector<256x2048xi32>
    %and3A_307 = arith.andi %eq3A_274, %lt3A_306 : vector<256x2048xi1>
    %or3A_308 = arith.ori %lt3A_303, %and3A_307 : vector<256x2048xi1>
    %jit3A_309 = arith.constant 1.000000e+00 : f32
    %jit3A_310 = arith.constant 0.000000e+00 : f32
    %broadcast_in_dim3A_311 = vector.broadcast %jit3A_309 : f32 to vector<256x2048xf32>
    %broadcast_in_dim3A_312 = vector.broadcast %jit3A_310 : f32 to vector<256x2048xf32>
    %select_n3A_313 = arith.select %or3A_308, %broadcast_in_dim3A_311, %broadcast_in_dim3A_312 : vector<256x2048xi1>, vector<256x2048xf32>
    %reduce_sum3A_314 = arith.constant dense<0.000000e+00> : vector<256xf32>
    %reduce_sum3A_315 = vector.multi_reduction <add>, %select_n3A_313, %reduce_sum3A_314 [1] : vector<256x2048xf32> to vector<256xf32>
    %broadcast_in_dim3A_316 = vector.shape_cast %reduce_sum3A_315 : vector<256xf32> to vector<256x1xf32>
    %convert_element_type3A_317 = arith.fptosi %broadcast_in_dim3A_316 : vector<256x1xf32> to vector<256x1xi32>
    %swap3A_318 = arith.constant 768 : index
    %swap3A_319 = arith.constant 0 : index
    %swap3A_320 = vector.load %arg4[%swap3A_318, %swap3A_319] : memref<2048x1xi32, #tpu.memory_space<vmem>>, vector<256x1xi32>
    tpu.vector_store %arg4[%swap3A_318, %swap3A_319], %convert_element_type3A_317 {strides = array<i32>} : memref<2048x1xi32, #tpu.memory_space<vmem>>, vector<256x1xi32>,
    %slice3A_321 = vector.extract_strided_slice %get3A_1 {offsets = [768, 0], sizes = [256, 768], strides = [1, 1]} : vector<2048x768xf32> to vector<256x768xf32>
    %mul3A_322 = vector.broadcast %mul3A_300 : vector<256x1xf32> to vector<256x768xf32>
    %mul3A_323 = arith.mulf %mul3A_322, %slice3A_321 : vector<256x768xf32>
    %swap3A_324 = arith.constant 768 : index
    %swap3A_325 = arith.constant 0 : index
    %swap3A_326 = vector.load %arg3[%swap3A_324, %swap3A_325] : memref<2048x896xf32, #tpu.memory_space<vmem>>, vector<256x768xf32>
    tpu.vector_store %arg3[%swap3A_324, %swap3A_325], %mul3A_323 {strides = array<i32>} : memref<2048x896xf32, #tpu.memory_space<vmem>>, vector<256x768xf32>,
    %slice3A_327 = vector.extract_strided_slice %eq3A_48 {offsets = [768, 0], sizes = [256, 128], strides = [1, 1]} : vector<2048x128xi1> to vector<256x128xi1>
    %jit3A_328 = arith.constant 0.000000e+00 : f32
    %broadcast_in_dim3A_329 = vector.shape_cast %mul3A_300 : vector<256x1xf32> to vector<256x1xf32>
    %broadcast_in_dim3A_330 = vector.broadcast %broadcast_in_dim3A_329 : vector<256x1xf32> to vector<256x128xf32>
    %broadcast_in_dim3A_331 = vector.broadcast %jit3A_328 : f32 to vector<256x128xf32>
    %select_n3A_332 = arith.select %slice3A_327, %broadcast_in_dim3A_330, %broadcast_in_dim3A_331 : vector<256x128xi1>, vector<256x128xf32>
    %swap3A_333 = arith.constant 768 : index
    %swap3A_334 = arith.constant 768 : index
    %swap3A_335 = vector.load %arg3[%swap3A_333, %swap3A_334] : memref<2048x896xf32, #tpu.memory_space<vmem>>, vector<256x128xf32>
    tpu.vector_store %arg3[%swap3A_333, %swap3A_334], %select_n3A_332 {strides = array<i32>} : memref<2048x896xf32, #tpu.memory_space<vmem>>, vector<256x128xf32>,
    %slice3A_336 = vector.extract_strided_slice %broadcast_in_dim3A_17 {offsets = [1024, 0], sizes = [256, 1], strides = [1, 1]} : vector<2048x1xf32> to vector<256x1xf32>
    %slice3A_337 = vector.extract_strided_slice %broadcast_in_dim3A_21 {offsets = [1024, 0], sizes = [256, 1], strides = [1, 1]} : vector<2048x1xi32> to vector<256x1xi32>
    %iota3A_338 = tpu.iota {dimensions = array<i32: 0>} : vector<256x1xi32>
    %add3A_339 = arith.constant 1024 : i32
    %add3A_340 = vector.broadcast %add3A_339 : i32 to vector<256x1xi32>
    %add3A_341 = arith.addi %iota3A_338, %add3A_340 : vector<256x1xi32>
    %eq3A_342 = vector.broadcast %transpose3A_60 : vector<1x2048xi32> to vector<256x2048xi32>
    %eq3A_343 = vector.broadcast %slice3A_337 : vector<256x1xi32> to vector<256x2048xi32>
    %eq3A_344 = arith.cmpi eq, %eq3A_342, %eq3A_343 : vector<256x2048xi32>
    %gt3A_345 = vector.broadcast %transpose3A : vector<1x2048xf32> to vector<256x2048xf32>
    %gt3A_346 = vector.broadcast %slice3A_336 : vector<256x1xf32> to vector<256x2048xf32>
    %gt3A_347 = arith.cmpf ogt, %gt3A_345, %gt3A_346 : vector<256x2048xf32>
    %eq3A_348 = vector.broadcast %transpose3A : vector<1x2048xf32> to vector<256x2048xf32>
    %eq3A_349 = vector.broadcast %slice3A_336 : vector<256x1xf32> to vector<256x2048xf32>
    %eq3A_350 = arith.cmpf oeq, %eq3A_348, %eq3A_349 : vector<256x2048xf32>
    %le3A_351 = vector.broadcast %iota3A_61 : vector<1x2048xi32> to vector<256x2048xi32>
    %le3A_352 = vector.broadcast %add3A_341 : vector<256x1xi32> to vector<256x2048xi32>
    %le3A_353 = arith.cmpi sle, %le3A_351, %le3A_352 : vector<256x2048xi32>
    %and3A_354 = arith.andi %eq3A_350, %le3A_353 : vector<256x2048xi1>
    %or3A_355 = arith.ori %gt3A_347, %and3A_354 : vector<256x2048xi1>
    %and3A_356 = arith.andi %or3A_355, %eq3A_344 : vector<256x2048xi1>
    %jit3A_357 = arith.constant 0.000000e+00 : f32
    %broadcast_in_dim3A_358 = vector.shape_cast %transpose3A : vector<1x2048xf32> to vector<1x2048xf32>
    %broadcast_in_dim3A_359 = vector.broadcast %broadcast_in_dim3A_358 : vector<1x2048xf32> to vector<256x2048xf32>
    %broadcast_in_dim3A_360 = vector.broadcast %jit3A_357 : f32 to vector<256x2048xf32>
    %select_n3A_361 = arith.select %and3A_356, %broadcast_in_dim3A_359, %broadcast_in_dim3A_360 : vector<256x2048xi1>, vector<256x2048xf32>
    %reduce_sum3A_362 = arith.constant dense<0.000000e+00> : vector<256xf32>
    %reduce_sum3A_363 = vector.multi_reduction <add>, %select_n3A_361, %reduce_sum3A_362 [1] : vector<256x2048xf32> to vector<256xf32>
    %broadcast_in_dim3A_364 = vector.shape_cast %reduce_sum3A_363 : vector<256xf32> to vector<256x1xf32>
    %le3A_365 = arith.constant 2.560000e+02 : f32
    %le3A_366 = vector.broadcast %le3A_365 : f32 to vector<256x1xf32>
    %le3A_367 = arith.cmpf ole, %broadcast_in_dim3A_364, %le3A_366 : vector<256x1xf32>
    %convert_element_type3A_368 = arith.extui %le3A_367 : vector<256x1xi1> to vector<256x1xi32>
    %convert_element_type3A_369 = arith.sitofp %convert_element_type3A_368 : vector<256x1xi32> to vector<256x1xf32>
    %mul3A_370 = arith.mulf %convert_element_type3A_369, %slice3A_336 : vector<256x1xf32>
    %lt3A_371 = vector.broadcast %transpose3A_60 : vector<1x2048xi32> to vector<256x2048xi32>
    %lt3A_372 = vector.broadcast %slice3A_337 : vector<256x1xi32> to vector<256x2048xi32>
    %lt3A_373 = arith.cmpi slt, %lt3A_371, %lt3A_372 : vector<256x2048xi32>
    %lt3A_374 = vector.broadcast %iota3A_61 : vector<1x2048xi32> to vector<256x2048xi32>
    %lt3A_375 = vector.broadcast %add3A_341 : vector<256x1xi32> to vector<256x2048xi32>
    %lt3A_376 = arith.cmpi slt, %lt3A_374, %lt3A_375 : vector<256x2048xi32>
    %and3A_377 = arith.andi %eq3A_344, %lt3A_376 : vector<256x2048xi1>
    %or3A_378 = arith.ori %lt3A_373, %and3A_377 : vector<256x2048xi1>
    %jit3A_379 = arith.constant 1.000000e+00 : f32
    %jit3A_380 = arith.constant 0.000000e+00 : f32
    %broadcast_in_dim3A_381 = vector.broadcast %jit3A_379 : f32 to vector<256x2048xf32>
    %broadcast_in_dim3A_382 = vector.broadcast %jit3A_380 : f32 to vector<256x2048xf32>
    %select_n3A_383 = arith.select %or3A_378, %broadcast_in_dim3A_381, %broadcast_in_dim3A_382 : vector<256x2048xi1>, vector<256x2048xf32>
    %reduce_sum3A_384 = arith.constant dense<0.000000e+00> : vector<256xf32>
    %reduce_sum3A_385 = vector.multi_reduction <add>, %select_n3A_383, %reduce_sum3A_384 [1] : vector<256x2048xf32> to vector<256xf32>
    %broadcast_in_dim3A_386 = vector.shape_cast %reduce_sum3A_385 : vector<256xf32> to vector<256x1xf32>
    %convert_element_type3A_387 = arith.fptosi %broadcast_in_dim3A_386 : vector<256x1xf32> to vector<256x1xi32>
    %swap3A_388 = arith.constant 1024 : index
    %swap3A_389 = arith.constant 0 : index
    %swap3A_390 = vector.load %arg4[%swap3A_388, %swap3A_389] : memref<2048x1xi32, #tpu.memory_space<vmem>>, vector<256x1xi32>
    tpu.vector_store %arg4[%swap3A_388, %swap3A_389], %convert_element_type3A_387 {strides = array<i32>} : memref<2048x1xi32, #tpu.memory_space<vmem>>, vector<256x1xi32>,
    %slice3A_391 = vector.extract_strided_slice %get3A_1 {offsets = [1024, 0], sizes = [256, 768], strides = [1, 1]} : vector<2048x768xf32> to vector<256x768xf32>
    %mul3A_392 = vector.broadcast %mul3A_370 : vector<256x1xf32> to vector<256x768xf32>
    %mul3A_393 = arith.mulf %mul3A_392, %slice3A_391 : vector<256x768xf32>
    %swap3A_394 = arith.constant 1024 : index
    %swap3A_395 = arith.constant 0 : index
    %swap3A_396 = vector.load %arg3[%swap3A_394, %swap3A_395] : memref<2048x896xf32, #tpu.memory_space<vmem>>, vector<256x768xf32>
    tpu.vector_store %arg3[%swap3A_394, %swap3A_395], %mul3A_393 {strides = array<i32>} : memref<2048x896xf32, #tpu.memory_space<vmem>>, vector<256x768xf32>,
    %slice3A_397 = vector.extract_strided_slice %eq3A_48 {offsets = [1024, 0], sizes = [256, 128], strides = [1, 1]} : vector<2048x128xi1> to vector<256x128xi1>
    %jit3A_398 = arith.constant 0.000000e+00 : f32
    %broadcast_in_dim3A_399 = vector.shape_cast %mul3A_370 : vector<256x1xf32> to vector<256x1xf32>
    %broadcast_in_dim3A_400 = vector.broadcast %broadcast_in_dim3A_399 : vector<256x1xf32> to vector<256x128xf32>
    %broadcast_in_dim3A_401 = vector.broadcast %jit3A_398 : f32 to vector<256x128xf32>
    %select_n3A_402 = arith.select %slice3A_397, %broadcast_in_dim3A_400, %broadcast_in_dim3A_401 : vector<256x128xi1>, vector<256x128xf32>
    %swap3A_403 = arith.constant 1024 : index
    %swap3A_404 = arith.constant 768 : index
    %swap3A_405 = vector.load %arg3[%swap3A_403, %swap3A_404] : memref<2048x896xf32, #tpu.memory_space<vmem>>, vector<256x128xf32>
    tpu.vector_store %arg3[%swap3A_403, %swap3A_404], %select_n3A_402 {strides = array<i32>} : memref<2048x896xf32, #tpu.memory_space<vmem>>, vector<256x128xf32>,
    %slice3A_406 = vector.extract_strided_slice %broadcast_in_dim3A_17 {offsets = [1280, 0], sizes = [256, 1], strides = [1, 1]} : vector<2048x1xf32> to vector<256x1xf32>
    %slice3A_407 = vector.extract_strided_slice %broadcast_in_dim3A_21 {offsets = [1280, 0], sizes = [256, 1], strides = [1, 1]} : vector<2048x1xi32> to vector<256x1xi32>
    %iota3A_408 = tpu.iota {dimensions = array<i32: 0>} : vector<256x1xi32>
    %add3A_409 = arith.constant 1280 : i32
    %add3A_410 = vector.broadcast %add3A_409 : i32 to vector<256x1xi32>
    %add3A_411 = arith.addi %iota3A_408, %add3A_410 : vector<256x1xi32>
    %eq3A_412 = vector.broadcast %transpose3A_60 : vector<1x2048xi32> to vector<256x2048xi32>
    %eq3A_413 = vector.broadcast %slice3A_407 : vector<256x1xi32> to vector<256x2048xi32>
    %eq3A_414 = arith.cmpi eq, %eq3A_412, %eq3A_413 : vector<256x2048xi32>
    %gt3A_415 = vector.broadcast %transpose3A : vector<1x2048xf32> to vector<256x2048xf32>
    %gt3A_416 = vector.broadcast %slice3A_406 : vector<256x1xf32> to vector<256x2048xf32>
    %gt3A_417 = arith.cmpf ogt, %gt3A_415, %gt3A_416 : vector<256x2048xf32>
    %eq3A_418 = vector.broadcast %transpose3A : vector<1x2048xf32> to vector<256x2048xf32>
    %eq3A_419 = vector.broadcast %slice3A_406 : vector<256x1xf32> to vector<256x2048xf32>
    %eq3A_420 = arith.cmpf oeq, %eq3A_418, %eq3A_419 : vector<256x2048xf32>
    %le3A_421 = vector.broadcast %iota3A_61 : vector<1x2048xi32> to vector<256x2048xi32>
    %le3A_422 = vector.broadcast %add3A_411 : vector<256x1xi32> to vector<256x2048xi32>
    %le3A_423 = arith.cmpi sle, %le3A_421, %le3A_422 : vector<256x2048xi32>
    %and3A_424 = arith.andi %eq3A_420, %le3A_423 : vector<256x2048xi1>
    %or3A_425 = arith.ori %gt3A_417, %and3A_424 : vector<256x2048xi1>
    %and3A_426 = arith.andi %or3A_425, %eq3A_414 : vector<256x2048xi1>
    %jit3A_427 = arith.constant 0.000000e+00 : f32
    %broadcast_in_dim3A_428 = vector.shape_cast %transpose3A : vector<1x2048xf32> to vector<1x2048xf32>
    %broadcast_in_dim3A_429 = vector.broadcast %broadcast_in_dim3A_428 : vector<1x2048xf32> to vector<256x2048xf32>
    %broadcast_in_dim3A_430 = vector.broadcast %jit3A_427 : f32 to vector<256x2048xf32>
    %select_n3A_431 = arith.select %and3A_426, %broadcast_in_dim3A_429, %broadcast_in_dim3A_430 : vector<256x2048xi1>, vector<256x2048xf32>
    %reduce_sum3A_432 = arith.constant dense<0.000000e+00> : vector<256xf32>
    %reduce_sum3A_433 = vector.multi_reduction <add>, %select_n3A_431, %reduce_sum3A_432 [1] : vector<256x2048xf32> to vector<256xf32>
    %broadcast_in_dim3A_434 = vector.shape_cast %reduce_sum3A_433 : vector<256xf32> to vector<256x1xf32>
    %le3A_435 = arith.constant 2.560000e+02 : f32
    %le3A_436 = vector.broadcast %le3A_435 : f32 to vector<256x1xf32>
    %le3A_437 = arith.cmpf ole, %broadcast_in_dim3A_434, %le3A_436 : vector<256x1xf32>
    %convert_element_type3A_438 = arith.extui %le3A_437 : vector<256x1xi1> to vector<256x1xi32>
    %convert_element_type3A_439 = arith.sitofp %convert_element_type3A_438 : vector<256x1xi32> to vector<256x1xf32>
    %mul3A_440 = arith.mulf %convert_element_type3A_439, %slice3A_406 : vector<256x1xf32>
    %lt3A_441 = vector.broadcast %transpose3A_60 : vector<1x2048xi32> to vector<256x2048xi32>
    %lt3A_442 = vector.broadcast %slice3A_407 : vector<256x1xi32> to vector<256x2048xi32>
    %lt3A_443 = arith.cmpi slt, %lt3A_441, %lt3A_442 : vector<256x2048xi32>
    %lt3A_444 = vector.broadcast %iota3A_61 : vector<1x2048xi32> to vector<256x2048xi32>
    %lt3A_445 = vector.broadcast %add3A_411 : vector<256x1xi32> to vector<256x2048xi32>
    %lt3A_446 = arith.cmpi slt, %lt3A_444, %lt3A_445 : vector<256x2048xi32>
    %and3A_447 = arith.andi %eq3A_414, %lt3A_446 : vector<256x2048xi1>
    %or3A_448 = arith.ori %lt3A_443, %and3A_447 : vector<256x2048xi1>
    %jit3A_449 = arith.constant 1.000000e+00 : f32
    %jit3A_450 = arith.constant 0.000000e+00 : f32
    %broadcast_in_dim3A_451 = vector.broadcast %jit3A_449 : f32 to vector<256x2048xf32>
    %broadcast_in_dim3A_452 = vector.broadcast %jit3A_450 : f32 to vector<256x2048xf32>
    %select_n3A_453 = arith.select %or3A_448, %broadcast_in_dim3A_451, %broadcast_in_dim3A_452 : vector<256x2048xi1>, vector<256x2048xf32>
    %reduce_sum3A_454 = arith.constant dense<0.000000e+00> : vector<256xf32>
    %reduce_sum3A_455 = vector.multi_reduction <add>, %select_n3A_453, %reduce_sum3A_454 [1] : vector<256x2048xf32> to vector<256xf32>
    %broadcast_in_dim3A_456 = vector.shape_cast %reduce_sum3A_455 : vector<256xf32> to vector<256x1xf32>
    %convert_element_type3A_457 = arith.fptosi %broadcast_in_dim3A_456 : vector<256x1xf32> to vector<256x1xi32>
    %swap3A_458 = arith.constant 1280 : index
    %swap3A_459 = arith.constant 0 : index
    %swap3A_460 = vector.load %arg4[%swap3A_458, %swap3A_459] : memref<2048x1xi32, #tpu.memory_space<vmem>>, vector<256x1xi32>
    tpu.vector_store %arg4[%swap3A_458, %swap3A_459], %convert_element_type3A_457 {strides = array<i32>} : memref<2048x1xi32, #tpu.memory_space<vmem>>, vector<256x1xi32>,
    %slice3A_461 = vector.extract_strided_slice %get3A_1 {offsets = [1280, 0], sizes = [256, 768], strides = [1, 1]} : vector<2048x768xf32> to vector<256x768xf32>
    %mul3A_462 = vector.broadcast %mul3A_440 : vector<256x1xf32> to vector<256x768xf32>
    %mul3A_463 = arith.mulf %mul3A_462, %slice3A_461 : vector<256x768xf32>
    %swap3A_464 = arith.constant 1280 : index
    %swap3A_465 = arith.constant 0 : index
    %swap3A_466 = vector.load %arg3[%swap3A_464, %swap3A_465] : memref<2048x896xf32, #tpu.memory_space<vmem>>, vector<256x768xf32>
    tpu.vector_store %arg3[%swap3A_464, %swap3A_465], %mul3A_463 {strides = array<i32>} : memref<2048x896xf32, #tpu.memory_space<vmem>>, vector<256x768xf32>,
    %slice3A_467 = vector.extract_strided_slice %eq3A_48 {offsets = [1280, 0], sizes = [256, 128], strides = [1, 1]} : vector<2048x128xi1> to vector<256x128xi1>
    %jit3A_468 = arith.constant 0.000000e+00 : f32
    %broadcast_in_dim3A_469 = vector.shape_cast %mul3A_440 : vector<256x1xf32> to vector<256x1xf32>
    %broadcast_in_dim3A_470 = vector.broadcast %broadcast_in_dim3A_469 : vector<256x1xf32> to vector<256x128xf32>
    %broadcast_in_dim3A_471 = vector.broadcast %jit3A_468 : f32 to vector<256x128xf32>
    %select_n3A_472 = arith.select %slice3A_467, %broadcast_in_dim3A_470, %broadcast_in_dim3A_471 : vector<256x128xi1>, vector<256x128xf32>
    %swap3A_473 = arith.constant 1280 : index
    %swap3A_474 = arith.constant 768 : index
    %swap3A_475 = vector.load %arg3[%swap3A_473, %swap3A_474] : memref<2048x896xf32, #tpu.memory_space<vmem>>, vector<256x128xf32>
    tpu.vector_store %arg3[%swap3A_473, %swap3A_474], %select_n3A_472 {strides = array<i32>} : memref<2048x896xf32, #tpu.memory_space<vmem>>, vector<256x128xf32>,
    %slice3A_476 = vector.extract_strided_slice %broadcast_in_dim3A_17 {offsets = [1536, 0], sizes = [256, 1], strides = [1, 1]} : vector<2048x1xf32> to vector<256x1xf32>
    %slice3A_477 = vector.extract_strided_slice %broadcast_in_dim3A_21 {offsets = [1536, 0], sizes = [256, 1], strides = [1, 1]} : vector<2048x1xi32> to vector<256x1xi32>
    %iota3A_478 = tpu.iota {dimensions = array<i32: 0>} : vector<256x1xi32>
    %add3A_479 = arith.constant 1536 : i32
    %add3A_480 = vector.broadcast %add3A_479 : i32 to vector<256x1xi32>
    %add3A_481 = arith.addi %iota3A_478, %add3A_480 : vector<256x1xi32>
    %eq3A_482 = vector.broadcast %transpose3A_60 : vector<1x2048xi32> to vector<256x2048xi32>
    %eq3A_483 = vector.broadcast %slice3A_477 : vector<256x1xi32> to vector<256x2048xi32>
    %eq3A_484 = arith.cmpi eq, %eq3A_482, %eq3A_483 : vector<256x2048xi32>
    %gt3A_485 = vector.broadcast %transpose3A : vector<1x2048xf32> to vector<256x2048xf32>
    %gt3A_486 = vector.broadcast %slice3A_476 : vector<256x1xf32> to vector<256x2048xf32>
    %gt3A_487 = arith.cmpf ogt, %gt3A_485, %gt3A_486 : vector<256x2048xf32>
    %eq3A_488 = vector.broadcast %transpose3A : vector<1x2048xf32> to vector<256x2048xf32>
    %eq3A_489 = vector.broadcast %slice3A_476 : vector<256x1xf32> to vector<256x2048xf32>
    %eq3A_490 = arith.cmpf oeq, %eq3A_488, %eq3A_489 : vector<256x2048xf32>
    %le3A_491 = vector.broadcast %iota3A_61 : vector<1x2048xi32> to vector<256x2048xi32>
    %le3A_492 = vector.broadcast %add3A_481 : vector<256x1xi32> to vector<256x2048xi32>
    %le3A_493 = arith.cmpi sle, %le3A_491, %le3A_492 : vector<256x2048xi32>
    %and3A_494 = arith.andi %eq3A_490, %le3A_493 : vector<256x2048xi1>
    %or3A_495 = arith.ori %gt3A_487, %and3A_494 : vector<256x2048xi1>
    %and3A_496 = arith.andi %or3A_495, %eq3A_484 : vector<256x2048xi1>
    %jit3A_497 = arith.constant 0.000000e+00 : f32
    %broadcast_in_dim3A_498 = vector.shape_cast %transpose3A : vector<1x2048xf32> to vector<1x2048xf32>
    %broadcast_in_dim3A_499 = vector.broadcast %broadcast_in_dim3A_498 : vector<1x2048xf32> to vector<256x2048xf32>
    %broadcast_in_dim3A_500 = vector.broadcast %jit3A_497 : f32 to vector<256x2048xf32>
    %select_n3A_501 = arith.select %and3A_496, %broadcast_in_dim3A_499, %broadcast_in_dim3A_500 : vector<256x2048xi1>, vector<256x2048xf32>
    %reduce_sum3A_502 = arith.constant dense<0.000000e+00> : vector<256xf32>
    %reduce_sum3A_503 = vector.multi_reduction <add>, %select_n3A_501, %reduce_sum3A_502 [1] : vector<256x2048xf32> to vector<256xf32>
    %broadcast_in_dim3A_504 = vector.shape_cast %reduce_sum3A_503 : vector<256xf32> to vector<256x1xf32>
    %le3A_505 = arith.constant 2.560000e+02 : f32
    %le3A_506 = vector.broadcast %le3A_505 : f32 to vector<256x1xf32>
    %le3A_507 = arith.cmpf ole, %broadcast_in_dim3A_504, %le3A_506 : vector<256x1xf32>
    %convert_element_type3A_508 = arith.extui %le3A_507 : vector<256x1xi1> to vector<256x1xi32>
    %convert_element_type3A_509 = arith.sitofp %convert_element_type3A_508 : vector<256x1xi32> to vector<256x1xf32>
    %mul3A_510 = arith.mulf %convert_element_type3A_509, %slice3A_476 : vector<256x1xf32>
    %lt3A_511 = vector.broadcast %transpose3A_60 : vector<1x2048xi32> to vector<256x2048xi32>
    %lt3A_512 = vector.broadcast %slice3A_477 : vector<256x1xi32> to vector<256x2048xi32>
    %lt3A_513 = arith.cmpi slt, %lt3A_511, %lt3A_512 : vector<256x2048xi32>
    %lt3A_514 = vector.broadcast %iota3A_61 : vector<1x2048xi32> to vector<256x2048xi32>
    %lt3A_515 = vector.broadcast %add3A_481 : vector<256x1xi32> to vector<256x2048xi32>
    %lt3A_516 = arith.cmpi slt, %lt3A_514, %lt3A_515 : vector<256x2048xi32>
    %and3A_517 = arith.andi %eq3A_484, %lt3A_516 : vector<256x2048xi1>
    %or3A_518 = arith.ori %lt3A_513, %and3A_517 : vector<256x2048xi1>
    %jit3A_519 = arith.constant 1.000000e+00 : f32
    %jit3A_520 = arith.constant 0.000000e+00 : f32
    %broadcast_in_dim3A_521 = vector.broadcast %jit3A_519 : f32 to vector<256x2048xf32>
    %broadcast_in_dim3A_522 = vector.broadcast %jit3A_520 : f32 to vector<256x2048xf32>
    %select_n3A_523 = arith.select %or3A_518, %broadcast_in_dim3A_521, %broadcast_in_dim3A_522 : vector<256x2048xi1>, vector<256x2048xf32>
    %reduce_sum3A_524 = arith.constant dense<0.000000e+00> : vector<256xf32>
    %reduce_sum3A_525 = vector.multi_reduction <add>, %select_n3A_523, %reduce_sum3A_524 [1] : vector<256x2048xf32> to vector<256xf32>
    %broadcast_in_dim3A_526 = vector.shape_cast %reduce_sum3A_525 : vector<256xf32> to vector<256x1xf32>
    %convert_element_type3A_527 = arith.fptosi %broadcast_in_dim3A_526 : vector<256x1xf32> to vector<256x1xi32>
    %swap3A_528 = arith.constant 1536 : index
    %swap3A_529 = arith.constant 0 : index
    %swap3A_530 = vector.load %arg4[%swap3A_528, %swap3A_529] : memref<2048x1xi32, #tpu.memory_space<vmem>>, vector<256x1xi32>
    tpu.vector_store %arg4[%swap3A_528, %swap3A_529], %convert_element_type3A_527 {strides = array<i32>} : memref<2048x1xi32, #tpu.memory_space<vmem>>, vector<256x1xi32>,
    %slice3A_531 = vector.extract_strided_slice %get3A_1 {offsets = [1536, 0], sizes = [256, 768], strides = [1, 1]} : vector<2048x768xf32> to vector<256x768xf32>
    %mul3A_532 = vector.broadcast %mul3A_510 : vector<256x1xf32> to vector<256x768xf32>
    %mul3A_533 = arith.mulf %mul3A_532, %slice3A_531 : vector<256x768xf32>
    %swap3A_534 = arith.constant 1536 : index
    %swap3A_535 = arith.constant 0 : index
    %swap3A_536 = vector.load %arg3[%swap3A_534, %swap3A_535] : memref<2048x896xf32, #tpu.memory_space<vmem>>, vector<256x768xf32>
    tpu.vector_store %arg3[%swap3A_534, %swap3A_535], %mul3A_533 {strides = array<i32>} : memref<2048x896xf32, #tpu.memory_space<vmem>>, vector<256x768xf32>,
    %slice3A_537 = vector.extract_strided_slice %eq3A_48 {offsets = [1536, 0], sizes = [256, 128], strides = [1, 1]} : vector<2048x128xi1> to vector<256x128xi1>
    %jit3A_538 = arith.constant 0.000000e+00 : f32
    %broadcast_in_dim3A_539 = vector.shape_cast %mul3A_510 : vector<256x1xf32> to vector<256x1xf32>
    %broadcast_in_dim3A_540 = vector.broadcast %broadcast_in_dim3A_539 : vector<256x1xf32> to vector<256x128xf32>
    %broadcast_in_dim3A_541 = vector.broadcast %jit3A_538 : f32 to vector<256x128xf32>
    %select_n3A_542 = arith.select %slice3A_537, %broadcast_in_dim3A_540, %broadcast_in_dim3A_541 : vector<256x128xi1>, vector<256x128xf32>
    %swap3A_543 = arith.constant 1536 : index
    %swap3A_544 = arith.constant 768 : index
    %swap3A_545 = vector.load %arg3[%swap3A_543, %swap3A_544] : memref<2048x896xf32, #tpu.memory_space<vmem>>, vector<256x128xf32>
    tpu.vector_store %arg3[%swap3A_543, %swap3A_544], %select_n3A_542 {strides = array<i32>} : memref<2048x896xf32, #tpu.memory_space<vmem>>, vector<256x128xf32>,
    %slice3A_546 = vector.extract_strided_slice %broadcast_in_dim3A_17 {offsets = [1792, 0], sizes = [256, 1], strides = [1, 1]} : vector<2048x1xf32> to vector<256x1xf32>
    %slice3A_547 = vector.extract_strided_slice %broadcast_in_dim3A_21 {offsets = [1792, 0], sizes = [256, 1], strides = [1, 1]} : vector<2048x1xi32> to vector<256x1xi32>
    %iota3A_548 = tpu.iota {dimensions = array<i32: 0>} : vector<256x1xi32>
    %add3A_549 = arith.constant 1792 : i32
    %add3A_550 = vector.broadcast %add3A_549 : i32 to vector<256x1xi32>
    %add3A_551 = arith.addi %iota3A_548, %add3A_550 : vector<256x1xi32>
    %eq3A_552 = vector.broadcast %transpose3A_60 : vector<1x2048xi32> to vector<256x2048xi32>
    %eq3A_553 = vector.broadcast %slice3A_547 : vector<256x1xi32> to vector<256x2048xi32>
    %eq3A_554 = arith.cmpi eq, %eq3A_552, %eq3A_553 : vector<256x2048xi32>
    %gt3A_555 = vector.broadcast %transpose3A : vector<1x2048xf32> to vector<256x2048xf32>
    %gt3A_556 = vector.broadcast %slice3A_546 : vector<256x1xf32> to vector<256x2048xf32>
    %gt3A_557 = arith.cmpf ogt, %gt3A_555, %gt3A_556 : vector<256x2048xf32>
    %eq3A_558 = vector.broadcast %transpose3A : vector<1x2048xf32> to vector<256x2048xf32>
    %eq3A_559 = vector.broadcast %slice3A_546 : vector<256x1xf32> to vector<256x2048xf32>
    %eq3A_560 = arith.cmpf oeq, %eq3A_558, %eq3A_559 : vector<256x2048xf32>
    %le3A_561 = vector.broadcast %iota3A_61 : vector<1x2048xi32> to vector<256x2048xi32>
    %le3A_562 = vector.broadcast %add3A_551 : vector<256x1xi32> to vector<256x2048xi32>
    %le3A_563 = arith.cmpi sle, %le3A_561, %le3A_562 : vector<256x2048xi32>
    %and3A_564 = arith.andi %eq3A_560, %le3A_563 : vector<256x2048xi1>
    %or3A_565 = arith.ori %gt3A_557, %and3A_564 : vector<256x2048xi1>
    %and3A_566 = arith.andi %or3A_565, %eq3A_554 : vector<256x2048xi1>
    %jit3A_567 = arith.constant 0.000000e+00 : f32
    %broadcast_in_dim3A_568 = vector.shape_cast %transpose3A : vector<1x2048xf32> to vector<1x2048xf32>
    %broadcast_in_dim3A_569 = vector.broadcast %broadcast_in_dim3A_568 : vector<1x2048xf32> to vector<256x2048xf32>
    %broadcast_in_dim3A_570 = vector.broadcast %jit3A_567 : f32 to vector<256x2048xf32>
    %select_n3A_571 = arith.select %and3A_566, %broadcast_in_dim3A_569, %broadcast_in_dim3A_570 : vector<256x2048xi1>, vector<256x2048xf32>
    %reduce_sum3A_572 = arith.constant dense<0.000000e+00> : vector<256xf32>
    %reduce_sum3A_573 = vector.multi_reduction <add>, %select_n3A_571, %reduce_sum3A_572 [1] : vector<256x2048xf32> to vector<256xf32>
    %broadcast_in_dim3A_574 = vector.shape_cast %reduce_sum3A_573 : vector<256xf32> to vector<256x1xf32>
    %le3A_575 = arith.constant 2.560000e+02 : f32
    %le3A_576 = vector.broadcast %le3A_575 : f32 to vector<256x1xf32>
    %le3A_577 = arith.cmpf ole, %broadcast_in_dim3A_574, %le3A_576 : vector<256x1xf32>
    %convert_element_type3A_578 = arith.extui %le3A_577 : vector<256x1xi1> to vector<256x1xi32>
    %convert_element_type3A_579 = arith.sitofp %convert_element_type3A_578 : vector<256x1xi32> to vector<256x1xf32>
    %mul3A_580 = arith.mulf %convert_element_type3A_579, %slice3A_546 : vector<256x1xf32>
    %lt3A_581 = vector.broadcast %transpose3A_60 : vector<1x2048xi32> to vector<256x2048xi32>
    %lt3A_582 = vector.broadcast %slice3A_547 : vector<256x1xi32> to vector<256x2048xi32>
    %lt3A_583 = arith.cmpi slt, %lt3A_581, %lt3A_582 : vector<256x2048xi32>
    %lt3A_584 = vector.broadcast %iota3A_61 : vector<1x2048xi32> to vector<256x2048xi32>
    %lt3A_585 = vector.broadcast %add3A_551 : vector<256x1xi32> to vector<256x2048xi32>
    %lt3A_586 = arith.cmpi slt, %lt3A_584, %lt3A_585 : vector<256x2048xi32>
    %and3A_587 = arith.andi %eq3A_554, %lt3A_586 : vector<256x2048xi1>
    %or3A_588 = arith.ori %lt3A_583, %and3A_587 : vector<256x2048xi1>
    %jit3A_589 = arith.constant 1.000000e+00 : f32
    %jit3A_590 = arith.constant 0.000000e+00 : f32
    %broadcast_in_dim3A_591 = vector.broadcast %jit3A_589 : f32 to vector<256x2048xf32>
    %broadcast_in_dim3A_592 = vector.broadcast %jit3A_590 : f32 to vector<256x2048xf32>
    %select_n3A_593 = arith.select %or3A_588, %broadcast_in_dim3A_591, %broadcast_in_dim3A_592 : vector<256x2048xi1>, vector<256x2048xf32>
    %reduce_sum3A_594 = arith.constant dense<0.000000e+00> : vector<256xf32>
    %reduce_sum3A_595 = vector.multi_reduction <add>, %select_n3A_593, %reduce_sum3A_594 [1] : vector<256x2048xf32> to vector<256xf32>
    %broadcast_in_dim3A_596 = vector.shape_cast %reduce_sum3A_595 : vector<256xf32> to vector<256x1xf32>
    %convert_element_type3A_597 = arith.fptosi %broadcast_in_dim3A_596 : vector<256x1xf32> to vector<256x1xi32>
    %swap3A_598 = arith.constant 1792 : index
    %swap3A_599 = arith.constant 0 : index
    %swap3A_600 = vector.load %arg4[%swap3A_598, %swap3A_599] : memref<2048x1xi32, #tpu.memory_space<vmem>>, vector<256x1xi32>
    tpu.vector_store %arg4[%swap3A_598, %swap3A_599], %convert_element_type3A_597 {strides = array<i32>} : memref<2048x1xi32, #tpu.memory_space<vmem>>, vector<256x1xi32>,
    %slice3A_601 = vector.extract_strided_slice %get3A_1 {offsets = [1792, 0], sizes = [256, 768], strides = [1, 1]} : vector<2048x768xf32> to vector<256x768xf32>
    %mul3A_602 = vector.broadcast %mul3A_580 : vector<256x1xf32> to vector<256x768xf32>
    %mul3A_603 = arith.mulf %mul3A_602, %slice3A_601 : vector<256x768xf32>
    %swap3A_604 = arith.constant 1792 : index
    %swap3A_605 = arith.constant 0 : index
    %swap3A_606 = vector.load %arg3[%swap3A_604, %swap3A_605] : memref<2048x896xf32, #tpu.memory_space<vmem>>, vector<256x768xf32>
    tpu.vector_store %arg3[%swap3A_604, %swap3A_605], %mul3A_603 {strides = array<i32>} : memref<2048x896xf32, #tpu.memory_space<vmem>>, vector<256x768xf32>,
    %slice3A_607 = vector.extract_strided_slice %eq3A_48 {offsets = [1792, 0], sizes = [256, 128], strides = [1, 1]} : vector<2048x128xi1> to vector<256x128xi1>
    %jit3A_608 = arith.constant 0.000000e+00 : f32
    %broadcast_in_dim3A_609 = vector.shape_cast %mul3A_580 : vector<256x1xf32> to vector<256x1xf32>
    %broadcast_in_dim3A_610 = vector.broadcast %broadcast_in_dim3A_609 : vector<256x1xf32> to vector<256x128xf32>
    %broadcast_in_dim3A_611 = vector.broadcast %jit3A_608 : f32 to vector<256x128xf32>
    %select_n3A_612 = arith.select %slice3A_607, %broadcast_in_dim3A_610, %broadcast_in_dim3A_611 : vector<256x128xi1>, vector<256x128xf32>
    %swap3A_613 = arith.constant 1792 : index
    %swap3A_614 = arith.constant 768 : index
    %swap3A_615 = vector.load %arg3[%swap3A_613, %swap3A_614] : memref<2048x896xf32, #tpu.memory_space<vmem>>, vector<256x128xf32>
    tpu.vector_store %arg3[%swap3A_613, %swap3A_614], %select_n3A_612 {strides = array<i32>} : memref<2048x896xf32, #tpu.memory_space<vmem>>, vector<256x128xf32>,
    return
  }
}

module attributes {stable_mosaic.version = 14 : i64} {
  func.func @_grouped_kernel(%arg0: i32, %arg1: memref<23xi32, #tpu.memory_space<smem>>, %arg2: memref<23xi32, #tpu.memory_space<smem>>, %arg3: memref<23xi32, #tpu.memory_space<smem>>, %arg4: memref<23xi32, #tpu.memory_space<smem>>, %arg5: memref<23xi32, #tpu.memory_space<smem>>, %arg6: memref<23xi32, #tpu.memory_space<smem>>, %arg7: memref<128x896xf32, #tpu.memory_space<vmem>>, %arg8: memref<1x768x768xf32, #tpu.memory_space<vmem>>, %arg9: memref<1x768x1xf32, #tpu.memory_space<vmem>>, %arg10: memref<128x768xf32, #tpu.memory_space<vmem>>) attributes {dimension_semantics = [#tpu.dimension_semantics<arbitrary>], iteration_bounds = array<i64: 23>, scalar_prefetch = 6 : i64, scratch_operands = 0 : i64, tpu.core_type = #tpu.core_type<tc>, window_params = [{transform_indices = @transform_0, window_bounds = array<i64: 128, 896>}, {transform_indices = @transform_1, window_bounds = array<i64: 1, 768, 768>}, {transform_indices = @transform_2, window_bounds = array<i64: 1, 768, 1>}, {transform_indices = @transform_3, window_bounds = array<i64: 128, 768>}]} {
    %get3A = arith.constant 0 : index
    %get3A_0 = arith.constant 0 : index
    %get3A_1 = vector.load %arg7[%get3A, %get3A_0] : memref<128x896xf32, #tpu.memory_space<vmem>>, vector<128x896xf32>
    %get3A_2 = arith.constant 0 : index
    %get3A_3 = arith.constant 0 : index
    %get3A_4 = arith.constant 0 : index
    %get3A_5 = vector.load %arg8[%get3A_2, %get3A_3, %get3A_4] : memref<1x768x768xf32, #tpu.memory_space<vmem>>, vector<1x768x768xf32>
    %get3A_6 = vector.shape_cast %get3A_5 : vector<1x768x768xf32> to vector<768x768xf32>
    %slice3A = vector.extract_strided_slice %get3A_1 {offsets = [0, 0], sizes = [128, 768], strides = [1, 1]} : vector<128x896xf32> to vector<128x768xf32>
    %dot_general3A = arith.constant dense<0.000000e+00> : vector<128x768xf32>
    %dot_general3A_7 = tpu.matmul %slice3A, %get3A_6, %dot_general3A {dimension_numbers = #tpu.dot_dimension_numbers<[1], [1], [0], [0], [0, 0, 1, 0], [], []>, transpose_lhs_hint = false} : vector<128x768xf32>, vector<768x768xf32>, vector<128x768xf32> -> vector<128x768xf32>
    %iota3A = tpu.iota {dimensions = array<i32: 1>} : vector<768x128xi32>
    %get3A_8 = arith.index_cast %arg0 : i32 to index
    %get3A_9 = memref.load %arg2[%get3A_8] : memref<23xi32, #tpu.memory_space<smem>>
    %eq3A = vector.broadcast %get3A_9 : i32 to vector<768x128xi32>
    %eq3A_10 = arith.cmpi eq, %iota3A, %eq3A : vector<768x128xi32>
    %get3A_11 = arith.constant 0 : index
    %get3A_12 = arith.constant 0 : index
    %get3A_13 = arith.constant 0 : index
    %get3A_14 = vector.load %arg9[%get3A_11, %get3A_12, %get3A_13] : memref<1x768x1xf32, #tpu.memory_space<vmem>>, vector<1x768x1xf32>
    %get3A_15 = vector.shape_cast %get3A_14 : vector<1x768x1xf32> to vector<768x1xf32>
    %jit3A = arith.constant 0.000000e+00 : f32
    %broadcast_in_dim3A = vector.shape_cast %get3A_15 : vector<768x1xf32> to vector<768x1xf32>
    %broadcast_in_dim3A_16 = vector.broadcast %broadcast_in_dim3A : vector<768x1xf32> to vector<768x128xf32>
    %broadcast_in_dim3A_17 = vector.broadcast %jit3A : f32 to vector<768x128xf32>
    %select_n3A = arith.select %eq3A_10, %broadcast_in_dim3A_16, %broadcast_in_dim3A_17 : vector<768x128xi1>, vector<768x128xf32>
    %slice3A_18 = vector.extract_strided_slice %get3A_1 {offsets = [0, 768], sizes = [128, 128], strides = [1, 1]} : vector<128x896xf32> to vector<128x128xf32>
    %dot_general3A_19 = arith.constant dense<0.000000e+00> : vector<128x768xf32>
    %dot_general3A_20 = tpu.matmul %slice3A_18, %select_n3A, %dot_general3A_19 {dimension_numbers = #tpu.dot_dimension_numbers<[1], [1], [0], [0], [0, 0, 1, 0], [], []>, transpose_lhs_hint = false} : vector<128x128xf32>, vector<768x128xf32>, vector<128x768xf32> -> vector<128x768xf32>
    %add3A = arith.addf %dot_general3A_7, %dot_general3A_20 : vector<128x768xf32>
    %iota3A_21 = tpu.iota {dimensions = array<i32: 0>} : vector<128x1xi32>
    %get3A_22 = arith.index_cast %arg0 : i32 to index
    %get3A_23 = memref.load %arg1[%get3A_22] : memref<23xi32, #tpu.memory_space<smem>>
    %mul3A = arith.constant 128 : i32
    %mul3A_24 = arith.muli %get3A_23, %mul3A : i32
    %add3A_25 = vector.broadcast %mul3A_24 : i32 to vector<128x1xi32>
    %add3A_26 = arith.addi %iota3A_21, %add3A_25 : vector<128x1xi32>
    %get3A_27 = arith.index_cast %arg0 : i32 to index
    %get3A_28 = memref.load %arg3[%get3A_27] : memref<23xi32, #tpu.memory_space<smem>>
    %eq3A_29 = arith.constant 1 : i32
    %eq3A_30 = arith.cmpi eq, %get3A_28, %eq3A_29 : i32
    %get3A_31 = arith.index_cast %arg0 : i32 to index
    %get3A_32 = memref.load %arg4[%get3A_31] : memref<23xi32, #tpu.memory_space<smem>>
    %ge3A = vector.broadcast %get3A_32 : i32 to vector<128x1xi32>
    %ge3A_33 = arith.cmpi sge, %add3A_26, %ge3A : vector<128x1xi32>
    %and3A = vector.broadcast %eq3A_30 : i1 to vector<128x1xi1>
    %and3A_34 = arith.andi %and3A, %ge3A_33 : vector<128x1xi1>
    %get3A_35 = arith.index_cast %arg0 : i32 to index
    %get3A_36 = memref.load %arg5[%get3A_35] : memref<23xi32, #tpu.memory_space<smem>>
    %lt3A = vector.broadcast %get3A_36 : i32 to vector<128x1xi32>
    %lt3A_37 = arith.cmpi slt, %add3A_26, %lt3A : vector<128x1xi32>
    %and3A_38 = arith.andi %and3A_34, %lt3A_37 : vector<128x1xi1>
    %jit3A_39 = arith.constant 0.000000e+00 : f32
    %broadcast_in_dim3A_40 = vector.shape_cast %and3A_38 : vector<128x1xi1> to vector<128x1xi1>
    %broadcast_in_dim3A_41 = vector.broadcast %broadcast_in_dim3A_40 : vector<128x1xi1> to vector<128x768xi1>
    %broadcast_in_dim3A_42 = vector.broadcast %jit3A_39 : f32 to vector<128x768xf32>
    %select_n3A_43 = arith.select %broadcast_in_dim3A_41, %add3A, %broadcast_in_dim3A_42 : vector<128x768xi1>, vector<128x768xf32>
    %get3A_44 = arith.index_cast %arg0 : i32 to index
    %get3A_45 = memref.load %arg6[%get3A_44] : memref<23xi32, #tpu.memory_space<smem>>
    %eq3A_46 = arith.constant 1 : i32
    %eq3A_47 = arith.cmpi eq, %get3A_45, %eq3A_46 : i32
    %convert_element_type3A = arith.extui %eq3A_47 : i1 to i32
    %cond3A = arith.constant 0 : i32
    %cond3A_48 = arith.cmpi ne, %convert_element_type3A, %cond3A : i32
    scf.if %cond3A_48 {
      %swap3A = arith.constant 0 : index
      %swap3A_55 = arith.constant 0 : index
      %swap3A_56 = vector.load %arg10[%swap3A, %swap3A_55] : memref<128x768xf32, #tpu.memory_space<vmem>>, vector<128x768xf32>
      tpu.vector_store %arg10[%swap3A, %swap3A_55], %select_n3A_43 {strides = array<i32>} : memref<128x768xf32, #tpu.memory_space<vmem>>, vector<128x768xf32>,
    } else {
    }
    %get3A_49 = arith.index_cast %arg0 : i32 to index
    %get3A_50 = memref.load %arg6[%get3A_49] : memref<23xi32, #tpu.memory_space<smem>>
    %ne3A = arith.constant 1 : i32
    %ne3A_51 = arith.cmpi ne, %get3A_50, %ne3A : i32
    %convert_element_type3A_52 = arith.extui %ne3A_51 : i1 to i32
    %cond3A_53 = arith.constant 0 : i32
    %cond3A_54 = arith.cmpi ne, %convert_element_type3A_52, %cond3A_53 : i32
    scf.if %cond3A_54 {
      %get3A_55 = arith.constant 0 : index
      %get3A_56 = arith.constant 0 : index
      %get3A_57 = vector.load %arg10[%get3A_55, %get3A_56] : memref<128x768xf32, #tpu.memory_space<vmem>>, vector<128x768xf32>
      %add3A_58 = arith.addf %get3A_57, %select_n3A_43 : vector<128x768xf32>
      %swap3A = arith.constant 0 : index
      %swap3A_59 = arith.constant 0 : index
      %swap3A_60 = vector.load %arg10[%swap3A, %swap3A_59] : memref<128x768xf32, #tpu.memory_space<vmem>>, vector<128x768xf32>
      tpu.vector_store %arg10[%swap3A, %swap3A_59], %add3A_58 {strides = array<i32>} : memref<128x768xf32, #tpu.memory_space<vmem>>, vector<128x768xf32>,
    } else {
    }
    return
  }
  func.func @transform_0(%arg0: i32, %arg1: memref<23xi32, #tpu.memory_space<smem>>, %arg2: memref<23xi32, #tpu.memory_space<smem>>, %arg3: memref<23xi32, #tpu.memory_space<smem>>, %arg4: memref<23xi32, #tpu.memory_space<smem>>, %arg5: memref<23xi32, #tpu.memory_space<smem>>, %arg6: memref<23xi32, #tpu.memory_space<smem>>) -> (i32, i32) {
    %get3A = arith.index_cast %arg0 : i32 to index
    %get3A_0 = memref.load %arg1[%get3A] : memref<23xi32, #tpu.memory_space<smem>>
    %c0_i32 = arith.constant 0 : i32
    %c0_i32_1 = arith.constant 0 : i32
    return %get3A_0, %c0_i32 : i32, i32
  }
  func.func @transform_1(%arg0: i32, %arg1: memref<23xi32, #tpu.memory_space<smem>>, %arg2: memref<23xi32, #tpu.memory_space<smem>>, %arg3: memref<23xi32, #tpu.memory_space<smem>>, %arg4: memref<23xi32, #tpu.memory_space<smem>>, %arg5: memref<23xi32, #tpu.memory_space<smem>>, %arg6: memref<23xi32, #tpu.memory_space<smem>>) -> (i32, i32, i32) {
    %get3A = arith.index_cast %arg0 : i32 to index
    %get3A_0 = memref.load %arg2[%get3A] : memref<23xi32, #tpu.memory_space<smem>>
    %c0_i32 = arith.constant 0 : i32
    %c0_i32_1 = arith.constant 0 : i32
    %c0_i32_2 = arith.constant 0 : i32
    return %get3A_0, %c0_i32, %c0_i32_1 : i32, i32, i32
  }
  func.func @transform_2(%arg0: i32, %arg1: memref<23xi32, #tpu.memory_space<smem>>, %arg2: memref<23xi32, #tpu.memory_space<smem>>, %arg3: memref<23xi32, #tpu.memory_space<smem>>, %arg4: memref<23xi32, #tpu.memory_space<smem>>, %arg5: memref<23xi32, #tpu.memory_space<smem>>, %arg6: memref<23xi32, #tpu.memory_space<smem>>) -> (i32, i32, i32) {
    %get3A = arith.index_cast %arg0 : i32 to index
    %get3A_0 = memref.load %arg2[%get3A] : memref<23xi32, #tpu.memory_space<smem>>
    %c0_i32 = arith.constant 0 : i32
    %c0_i32_1 = arith.constant 0 : i32
    %c0_i32_2 = arith.constant 0 : i32
    return %get3A_0, %c0_i32, %c0_i32_1 : i32, i32, i32
  }
  func.func @transform_3(%arg0: i32, %arg1: memref<23xi32, #tpu.memory_space<smem>>, %arg2: memref<23xi32, #tpu.memory_space<smem>>, %arg3: memref<23xi32, #tpu.memory_space<smem>>, %arg4: memref<23xi32, #tpu.memory_space<smem>>, %arg5: memref<23xi32, #tpu.memory_space<smem>>, %arg6: memref<23xi32, #tpu.memory_space<smem>>) -> (i32, i32) {
    %get3A = arith.index_cast %arg0 : i32 to index
    %get3A_0 = memref.load %arg1[%get3A] : memref<23xi32, #tpu.memory_space<smem>>
    %c0_i32 = arith.constant 0 : i32
    %c0_i32_1 = arith.constant 0 : i32
    return %get3A_0, %c0_i32 : i32, i32
  }
}

</mosaic_0001>

<sc_bundles>
// kernel: kernel.6.cloned.1.call-start
scs
__scs_entry_jumppad:
0x0: {  	(pc) =	sbr.rel $0x88, $3  }
0x1: {  	(tag) =	ssettag $0x0;
	lr =	simm.s32 $0x1  }
0x2: {  	[smem:$0x3F9C] =	sst lr;
	_ =	strace $0xD0000000  }
0x3: {  	_ = 	snop  }
0x4: {  	_ = 	snop  }
0x5: {  	_ = 	snop  }
0x6: {  	_ = 	snop  }
0x7: {  	_ = 	snop  }
__scs_overlays_trampoline_lowered:
0x8: {  	[smem:$0x3FAB] =	sst s0  }
0x9: {  	[smem:$0x3FAC] =	sst s1  }
0xa: {  	[smem:$0x3FAD] =	sst s2  }
0xb: {  	[smem:$0x3FAE] =	sst s3  }
0xc: {  	[smem:$0x3FAF] =	sst s4  }
0xd: {  	[smem:$0x3FB0] =	sst s5  }
0xe: {  	[smem:$0x3FB1] =	sst s6  }
0xf: {  	[smem:$0x3FB2] =	sst s7  }
0x10: {  	[smem:$0x3FB3] =	sst s8  }
0x11: {  	[smem:$0x3FB4] =	sst s9;
	s0 =	simm.s32 @!p0 $0x0  }
0x12: {  	s1 =	sld [smem:$0x3F9A];
	s0 =	simm.s32 @p0 $0x1  }
0x13: {  	[smem:$0x3FB5] =	sst s0;
	s0 =	simm.s32 @!p1 $0x0  }
0x14: {  	s2 =	sld [smem:$0x3F99];
	s0 =	simm.s32 @p1 $0x1  }
0x15: {  	[smem:$0x3FB6] =	sst s0;
	s0 =	simm.s32 @!p2 $0x0  }
0x16: {  	s3 =	sld [smem:$0x3FDB];
	s0 =	simm.s32 @p2 $0x1  }
0x17: {  	s4 =	simm.s32 $0x1BF5;
	[smem:$0x3FB8] =	sst s0  }
0x18: {  	s0 =	sld [smem:$0x3F9B];
	_ =	swait.ge [sflag:s4], $0x0  }
0x19: {  	s7 =	sld [smem:$0x3F9C]  }
0x1a: {  	s8 =	sadd.s32 $0xFFFFE003, lr  }
0x1b: {  	s9 =	sadd.s32 $0xFFFFFEF7, lr;
	s5 =	simm.s32 $0xFFFFFFFF;
	p2 =	slt.u32 s8, $0xFFFFF086  }
0x1c: {  	p1 =	slt.u32 s9, $0xF7A;
	s5 =	simm.s32 @!p2 $0x0  }
0x1d: {  	s5 =	simm.s32 @p1 $0x1;
	p0 =	seq.s32 s7, s2  }
0x1e: {  	s7 =	smul.u32 @!p0 $0xF7A, s2;
	p2 =	seq.s32 @!p0 s5, $0x0  }
0x1f: {  	s9 =	smul.u32 $0xF7A, s1;
	s8 =	simm.s32 @!p0 $0x1BF5;
	p2 =	por !p2, p0  }
0x20: {  	[sflag:s8] =	ssyncset.s32 @!p0 $0xFFFFF086;
	s6 =	sadd.s32 @!p0 s3, s7;
	s7 =	simm.s32 @!p0 $0x108  }
0x21: {  	s3 =	sadd.s32 s3, s9;
	s6 =	sadd.s32 @!p0 $0x88, s6;
	s7 =	simm.s32 @p2 $0x1082  }
0x22: {  	[simem:s7], [sflag:s8] =	dma.local @!p0 [hbm:s6], $0xF7A  }
0x23: {  	s9 =	sor.u32 $0xD0000000, s2;
	s6 =	simm.s32 $0x108;
	_ =	swait.ge @!p0 [sflag:s8], $0x0  }
0x24: {  	s3 =	sadd.s32 $0x88, s3;
	s6 =	simm.s32 @!p1 $0x1082;
	[sflag:s4] =	ssyncset.s32 $0xFFFFF086  }
0x25: {  	[simem:s6], [sflag:s4] =	dma.local [hbm:s3], $0xF7A  }
0x26: {  	[smem:$0x3F9C] =	sst s1;
	(tag) =	ssettag s2;
	_ =	strace s9  }
0x27: {  	s1 =	sld [smem:$0x3FAC]  }
0x28: {  	s2 =	sld [smem:$0x3FAD]  }
0x29: {  	s4 =	sld [smem:$0x3FAF]  }
0x2a: {  	p0 =	seq.s32 s5, $0x0;
	s5 =	sld [smem:$0x3FB0]  }
0x2b: {  	s6 =	sld [smem:$0x3FB1]  }
0x2c: {  	s7 =	sld [smem:$0x3FB2]  }
0x2d: {  	s3 =	simm.s32 $0x108;
	s8 =	sld [smem:$0x3FB3]  }
0x2e: {  	s3 =	simm.s32 @!p0 $0x1082;
	s9 =	sld [smem:$0x3FB4]  }
0x2f: {  	lr =	sadd.s32 s0, s3;
	s0 =	sld [smem:$0x3FAB]  }
0x30: {  	s3 =	sld [smem:$0x3FAE]  }
0x31: {  	[smem:$0x3FB7] =	sst s10  }
0x32: {  	s10 =	sld [smem:$0x3FB5];
	_ =	sdelay $0x3  }
0x33: {  	p0 =	seq.s32 s10, $0x1;
	s10 =	sld [smem:$0x3FB7];
	_ =	sdelay $0x3  }
0x34: {  	[smem:$0x3FB7] =	sst s10  }
0x35: {  	s10 =	sld [smem:$0x3FB6];
	_ =	sdelay $0x3  }
0x36: {  	p1 =	seq.s32 s10, $0x1;
	s10 =	sld [smem:$0x3FB7];
	_ =	sdelay $0x3  }
0x37: {  	[smem:$0x3FB7] =	sst s10  }
0x38: {  	s10 =	sld [smem:$0x3FB8]  }
0x39: {  	_ = 	snop;
	(pc) =	sbr.ind lr, $3  }
0x3a: {  	_ = 	snop  }
0x3b: {  	_ = 	snop  }
0x3c: {  	p2 =	seq.s32 s10, $0x1;
	s10 =	sld [smem:$0x3FB7]  }
0x3d: {  	_ =	shalt  }
0x3e: {  	_ =	shalt  }
0x3f: {  	_ =	shalt  }
0x40: {  	_ =	shalt  }
0x41: {  	_ =	shalt  }
0x42: {  	_ =	shalt  }
0x43: {  	_ =	shalt  }
0x44: {  	_ =	shalt  }
0x45: {  	_ =	shalt  }
0x46: {  	_ =	shalt  }
0x47: {  	_ =	shalt  }
0x48: {  	_ =	shalt  }
0x49: {  	_ =	shalt  }
0x4a: {  	_ =	shalt  }
0x4b: {  	_ =	shalt  }
0x4c: {  	_ =	shalt  }
0x4d: {  	_ =	shalt  }
0x4e: {  	_ =	shalt  }
0x4f: {  	_ =	shalt  }
0x50: {  	_ =	shalt  }
0x51: {  	_ =	shalt  }
0x52: {  	_ =	shalt  }
0x53: {  	_ =	shalt  }
0x54: {  	_ =	shalt  }
0x55: {  	_ =	shalt  }
0x56: {  	_ =	shalt  }
0x57: {  	_ =	shalt  }
0x58: {  	_ =	shalt  }
0x59: {  	_ =	shalt  }
0x5a: {  	_ =	shalt  }
0x5b: {  	_ =	shalt  }
0x5c: {  	_ =	shalt  }
0x5d: {  	_ =	shalt  }
0x5e: {  	_ =	shalt  }
0x5f: {  	_ =	shalt  }
0x60: {  	_ =	shalt  }
0x61: {  	_ =	shalt  }
0x62: {  	_ =	shalt  }
0x63: {  	_ =	shalt  }
0x64: {  	_ =	shalt  }
0x65: {  	_ =	shalt  }
0x66: {  	_ =	shalt  }
0x67: {  	_ =	shalt  }
0x68: {  	_ =	shalt  }
0x69: {  	_ =	shalt  }
0x6a: {  	_ =	shalt  }
0x6b: {  	_ =	shalt  }
0x6c: {  	_ =	shalt  }
0x6d: {  	_ =	shalt  }
0x6e: {  	_ =	shalt  }
0x6f: {  	_ =	shalt  }
0x70: {  	_ =	shalt  }
0x71: {  	_ =	shalt  }
0x72: {  	_ =	shalt  }
0x73: {  	_ =	shalt  }
0x74: {  	_ =	shalt  }
0x75: {  	_ =	shalt  }
0x76: {  	_ =	shalt  }
0x77: {  	_ =	shalt  }
0x78: {  	_ =	shalt  }
0x79: {  	_ =	shalt  }
0x7a: {  	_ =	shalt  }
0x7b: {  	_ =	shalt  }
0x7c: {  	_ =	shalt  }
0x7d: {  	_ =	shalt  }
0x7e: {  	_ =	shalt  }
0x7f: {  	_ =	shalt  }
0x80: {  	_ =	shalt  }
0x81: {  	_ =	shalt  }
0x82: {  	_ =	shalt  }
0x83: {  	_ =	shalt  }
0x84: {  	_ =	shalt  }
0x85: {  	_ =	shalt  }
0x86: {  	_ =	shalt  }
0x87: {  	_ =	shalt  }
.Lfunc_end0:
.L_simem_size_0:
called_computation_lowered:
.L_overlay_start_0:
0x88: {  	s2 =	sld [smem:$0x3FD9]  }
0x89: {  	s3 =	sld [smem:$0x3FFE];
	_ =	sdelay $0x1  }
0x8a: {  	s1 =	srdreg.scid  }
0x8b: {  	s0 =	sand.u32 $0x1, s1  }
0x8c: {  	s16 =	sshll.u32 s0, $0xA;
	s2 =	sadd.s32 s3, s2  }
0x8d: {  	s2 =	sadd.s32 s2, s16  }
0x8e: {  	[smem:$0x3FC3] =	sst s2  }
0x8f: {  	_ = 	snop  }
0x90: {  	(tm) =	ssettm $0x1  }
0x91: {  	s17 =	sld [smem:$0x3FFB];
	_ =	sdelay $0x3  }
0x92: {  	_ =	strace s17  }
0x93: {  	s2 =	sld [smem:$0x3FFC];
	_ =	sdelay $0x3  }
0x94: {  	_ =	strace s2  }
0x95: {  	s2 =	sld [smem:$0x3FFD];
	_ =	sdelay $0x3  }
0x96: {  	_ =	strace s2  }
0x97: {  	_ =	strace $0x8FFFFFFF  }
0x98: {  	s18 =	sld [smem:$0x3FDB];
	_ =	sdelay $0x1  }
0x99: {  	s19 =	simm.s32 $_scs_section_size  }
0x9a: {  	s4 =	simm.s32 $_size__tile_overlayer_lowered;
	s5 =	simm.s32 $_tile_overlayer_lowered  }
0x9b: {  	s22 =	simm.s32 $0x1BFF;
	s21 =	sshll.u32 s5, $0x1;
	s2 =	sadd.s32 s19, s18  }
0x9c: {  	s6 =	simm.s32 $0x0;
	s20 =	sshll.u32 s4, $0x1;
	s4 =	sadd.s32 s21, s2  }
0x9d: {  	[timem:s6], [sflag:s22] =	dma.local [hbm:s4], s20  }
0x9e: {  	_ =	swait.ge [sflag:s22], s20  }
0x9f: {  	s3 =	ssub.s32 $0x0, s20;
	[sflag:s22] =	ssyncset.done $0x0  }
0xa0: {  	[sflag:s22] =	ssyncadd.s32 s3;
	_ =	sdelay $0x1  }
0xa1: {  	s23 =	simm.s32 $0x1B8B  }
0xa2: {  	_ =	swait.ge [sflag:s23], $0x1  }
0xa3: {  	[sflag:s23] =	ssyncset.done $0x0  }
0xa4: {  	s25 =	simm.s32 $0x1B8E;
	s24 =	sld [smem:$0x3FFE];
	[sflag:s23] =	ssyncadd.s32 $0xFFFFFFFF  }
0xa5: {  	s26 =	simm.s32 $execute0_lowered;
	[smem:$0x3FD2] =	sst s25  }
0xa6: {  	s4 =	sshll.u32 s26, $0x1;
	_ =	strace $0x80000046;
	[dreg:$0x1] =	wrdreg $0xFFFFFFFF  }
0xa7: {  	s28 =	simm.s32 $_size_execute0_lowered;
	s2 =	sadd.s32 s2, s4;
	[dreg:$0x0] =	wrdreg $0x0  }
0xa8: {  	s4 =	sshll.u32 s28, $0x1;
	[dreg:$0x2] =	wrdreg s2  }
0xa9: {  	[dreg:$0x3] =	wrdreg s4  }
0xaa: {  	[dreg:$0x4] =	wrdreg $0xC0  }
0xab: {  	_ =	task [dreg:s6], $0x5FFFF  }
0xac: {  	[dreg:$0x1] =	wrdreg $0xFFFFFFFF  }
0xad: {  	[dreg:$0x0] =	wrdreg $0x60  }
0xae: {  	[dreg:$0x2] =	wrdreg s24  }
0xaf: {  	[dreg:$0x3] =	wrdreg $0x9  }
0xb0: {  	_ =	task.clear_ibuf [dreg:s6], $0x4FFFF;
	_ =	strace $0x90000046  }
0xb1: {  	s29 =	simm.s32 $0x9;
	_ =	strace $0x80000048  }
0xb2: {  	_ =	swait.ge [sflag:s29], $0x1  }
0xb3: {  	[sflag:s29] =	ssyncadd.s32 $0xFFFFFFFF  }
0xb4: {  	_ =	strace $0x90000048  }
0xb5: {  	_ =	sfence  }
0xb6: {  	s30 =	sld [smem:$0x0];
	_ =	sdelay $0x2  }
0xb7: {  	s31 =	sshll.u32 s1, $0xD;
	s1 =	sshrl.u32 s1, $0x2  }
0xb8: {  	s3 =	sand.u32 $0x4000, s31;
	s1 =	sadd.s32 s1, s30  }
0xb9: {  	s0 =	sor.u32 s3, s0;
	s1 =	sshll.u32 s1, $0x11  }
0xba: {  	s0 =	sor.u32 s1, s0  }
0xbb: {  	s0 =	sadd.s32 $0x8F2B, s0  }
0xbc: {  	[sflag:s0] =	ssyncadd.remote.s32 $0x1  }
0xbd: {  	_ =	sfence.sel $0xFFFF  }
0xbe: {  	[dreg:$0x0] =	wrdreg $0xFFFFFFFF;
	(pc) =	sbr.abs _section_cstart, $3  }
0xbf: {  	[dreg:$0x1] =	wrdreg $0xFFFFFFFF  }
0xc0: {  	_ =	task.clear_ibuf [dreg:s6], $0x2FFFF;
	_ =	strace $0x9FFFFFFF  }
0xc1: {  	(tm) =	ssettm $0x7FFFFFFF  }
tec
execute0_lowered:
.L_overlay_start_1:
0x0: {  	(tag) =	ssettag $0x1  }
0x1: {  	s1 =	srdreg.scid;
	s0 =	stileid.u32  }
0x2: {  	s6 =	rddreg [dreg:$0x0];
	s19 =	simm.s32 $0x880;
	s20 =	simm.s32 $0x1080  }
0x3: {  	s21 =	simm.s32 $0x1880;
	s22 =	simm.s32 $0x1C80;
	s23 =	simm.s32 $0x2480  }
0x4: {  	s7 =	simm.s32 $0x2C80;
	s24 =	simm.s32 $0x3480;
	s8 =	simm.s32 $0x3880  }
0x5: {  	s25 =	simm.s32 $0x4080;
	s26 =	simm.s32 $0x4880;
	s1 =	sand.u32 $0x1, s1  }
0x6: {  	s9 =	simm.s32 $0x80;
	s2 =	sshll.u32 s0, $0x4;
	s3 =	sshll.u32 s1, $0x3  }
0x7: {  	s11 =	simm.s32 $0x5480;
	s3 =	sor.u32 s3, s2;
	s2 =	simm.s32 $0x0  }
0x8: {  	s12 =	simm.s32 $0x5C80;
	s13 =	simm.s32 $0x6480;
	[smem:$0x7FF] =	sst s2  }
0x9: {  	s14 =	simm.s32 $0x6C80;
	_ =	strace $0x80000047;
	[dreg:$0x4] =	wrdreg s19  }
0xa: {  	s15 =	simm.s32 $0x7080;
	s16 =	simm.s32 $0x7880;
	[dreg:$0x5] =	wrdreg s20  }
0xb: {  	s17 =	simm.s32 $0x8080;
	s28 =	simm.s32 $0xC480;
	[dreg:$0x6] =	wrdreg s21  }
0xc: {  	s29 =	simm.s32 $0xCC80;
	s30 =	simm.s32 $0xD480;
	[dreg:$0x7] =	wrdreg s22  }
0xd: {  	s31 =	simm.s32 $0xDC80;
	s1 =	ssub.s32 $0x2, s1;
	[dreg:$0x8] =	wrdreg s23  }
0xe: {  	s5 =	sshrl.u32 s1, $0x1;
	s4 =	smul.u32 $0x380, s3;
	[dreg:$0x9] =	wrdreg s7  }
0xf: {  	s3 =	sadd.s32 s3, s6;
	s1 =	ssub.s32 s1, s5;
	[dreg:$0xa] =	wrdreg s24  }
0x10: {  	s5 =	sadd.s32 $0x38C00, s6;
	s3 =	sadd.s32 $0x38800, s3;
	[dreg:$0xb] =	wrdreg s8  }
0x11: {  	s7 =	smax.u32 s1, $0x1;
	s8 =	simm.s32 $0x2;
	[dreg:$0xc] =	wrdreg s25  }
0x12: {  	[dreg:$0xd] =	wrdreg s26;
	s19 =	simm.s32 $0x8C80;
	s20 =	simm.s32 $0x9480  }
0x13: {  	s21 =	simm.s32 $0x9C80;
	s22 =	simm.s32 $0xA480;
	s23 =	simm.s32 $0xA880  }
0x14: {  	s24 =	simm.s32 $0xB080;
	s25 =	simm.s32 $0xB880;
	s26 =	simm.s32 $0xC080  }
0x15: {  	v2 =	vlaneseq.u32;
	s1 =	simm.s32 $0x1;
	s4 =	sadd.s32 s4, s6;
	[dreg:$0x2] =	wrdreg s3  }
0x16: {  	vm0 =	vmmov $0xffff;
	vm1 =	vmmov $0xff;
	v1 =	vshrl.u32 v2, $0x3;
	s3 =	sadd.s32 $0x38A00, s6;
	s18 =	sadd.s32 $0x800, s4;
	s4 =	sadd.s32 $0x38B00, s6  }
0x17: {  	v0 =	vand.u32 $0x7, v2;
	v2 =	vor.u32 $0x8, v2;
	v1 =	vmul.u32 $0x8, v1;
	s6 =	sadd.s32 $0x38D00, s6;
	[dreg:$0x3] =	wrdreg s18;
	s18 =	simm.s32 $0x8880  }
.LBB2_1:
0x18: {  	s0 =	rddreg [dreg:$0x2]  }
0x19: {  	[tilespmem:s2], [sflag:$0x2] =	stream.linear.gather [hbm4b:s0+s2], $0x40, $0x38;
	[tilespmem:$0xE080] =	vst v63  }
0x1a: {  	_ =	swait.ge [sflag:s8], $0x40  }
0x1b: {  	[sflag:s8] =	ssyncset.done $0x0  }
0x1c: {  	s10 =	rddreg [dreg:$0x3];
	[sflag:s8] =	ssyncadd.s32 $0xFFFFFFC0  }
0x1d: {  	[tilespmem:s9], [sflag:$0x2] =	stream.linear.gather [hbm4b:s10+s2], $0xE000, $0x38;
	[tilespmem:$0xE080] =	vst v63  }
0x1e: {  	_ =	swait.ge [sflag:s8], $0xE000  }
0x1f: {  	[sflag:s8] =	ssyncset.done $0x0  }
0x20: {  	[sflag:s8] =	ssyncadd.s32 $0xFFFF2000  }
0x21: {  	v3 =	vld [tilespmem:$0x0];
	_ =	sdelay $0x4  }
0x22: {  	v4 =	vshrl.u32 v3, $0x3  }
0x23: {  	v4 =	vmul.u32 $0x38, v4  }
0x24: {  	v3 =	vand.u32 $0x7, v3  }
0x25: {  	v3 =	vor.u32 v3, v4  }
0x26: {  	v4 =	vperm.xlane v3, v0;
	_ =	sdelay $0x1  }
0x27: {  	v4 =	vadd.s32 v1, v4;
	_ =	sdelay $0x4  }
0x28: {  	[hbm4b:s3+s2] =	stream.indirect_vreg.scatter [tilespmem:s9], [sflag:$0x1], $0x80, v4, vm0, $0xb8;
	[tilespmem:$0xE080] =	vst v63  }
0x29: {  	s0 =	rddreg [dreg:$0x4];
	v3 =	vperm.xlane v3, v2  }
0x2a: {  	[hbm4b:s4+s2] =	stream.indirect_vreg.scatter [tilespmem:s0], [sflag:$0x1], $0x80, v4, vm0, $0xb8;
	[tilespmem:$0xE080] =	vst v63  }
0x2b: {  	s10 =	rddreg [dreg:$0x5];
	v3 =	vadd.s32 v1, v3  }
0x2c: {  	[hbm4b:s5+s2] =	stream.indirect_vreg.scatter [tilespmem:s10], [sflag:$0x1], $0x80, v4, vm0, $0xb8;
	[tilespmem:$0xE080] =	vst v63  }
0x2d: {  	s0 =	rddreg [dreg:$0x6]  }
0x2e: {  	[hbm4b:s6+s2] =	stream.indirect_vreg.scatter [tilespmem:s0], [sflag:$0x1], $0x80, v4, vm1, $0xb8;
	[tilespmem:$0xE080] =	vst v63  }
0x2f: {  	s10 =	rddreg [dreg:$0x7]  }
0x30: {  	[hbm4b:s3+s2] =	stream.indirect_vreg.scatter [tilespmem:s10], [sflag:$0x1], $0x80, v3, vm0, $0xb8;
	[tilespmem:$0xE080] =	vst v63  }
0x31: {  	s0 =	rddreg [dreg:$0x8]  }
0x32: {  	[hbm4b:s4+s2] =	stream.indirect_vreg.scatter [tilespmem:s0], [sflag:$0x1], $0x80, v3, vm0, $0xb8;
	[tilespmem:$0xE080] =	vst v63  }
0x33: {  	s10 =	rddreg [dreg:$0x9]  }
0x34: {  	[hbm4b:s5+s2] =	stream.indirect_vreg.scatter [tilespmem:s10], [sflag:$0x1], $0x80, v3, vm0, $0xb8;
	[tilespmem:$0xE080] =	vst v63  }
0x35: {  	s0 =	rddreg [dreg:$0xa]  }
0x36: {  	[hbm4b:s6+s2] =	stream.indirect_vreg.scatter [tilespmem:s0], [sflag:$0x1], $0x80, v3, vm1, $0xb8;
	[tilespmem:$0xE080] =	vst v63  }
0x37: {  	v3 =	vld [tilespmem:$0x10];
	_ =	sdelay $0x4  }
0x38: {  	v61 =	vshrl.u32 v3, $0x3  }
0x39: {  	v4 =	vmul.u32 $0x38, v61  }
0x3a: {  	v3 =	vand.u32 $0x7, v3  }
0x3b: {  	v3 =	vor.u32 v3, v4  }
0x3c: {  	v4 =	vperm.xlane v3, v0;
	_ =	sdelay $0x1  }
0x3d: {  	v4 =	vadd.s32 v1, v4;
	_ =	sdelay $0x3  }
0x3e: {  	s0 =	rddreg [dreg:$0xb]  }
0x3f: {  	[hbm4b:s3+s2] =	stream.indirect_vreg.scatter [tilespmem:s0], [sflag:$0x1], $0x80, v4, vm0, $0xb8;
	[tilespmem:$0xE080] =	vst v63  }
0x40: {  	s10 =	rddreg [dreg:$0xc];
	v3 =	vperm.xlane v3, v2  }
0x41: {  	[hbm4b:s4+s2] =	stream.indirect_vreg.scatter [tilespmem:s10], [sflag:$0x1], $0x80, v4, vm0, $0xb8;
	[tilespmem:$0xE080] =	vst v63  }
0x42: {  	v3 =	vadd.s32 v1, v3;
	s0 =	rddreg [dreg:$0xd]  }
0x43: {  	[hbm4b:s5+s2] =	stream.indirect_vreg.scatter [tilespmem:s0], [sflag:$0x1], $0x80, v4, vm0, $0xb8;
	[tilespmem:$0xE080] =	vst v63  }
0x44: {  	s10 =	simm.s32 $0x5080  }
0x45: {  	[hbm4b:s6+s2] =	stream.indirect_vreg.scatter [tilespmem:s10], [sflag:$0x1], $0x80, v4, vm1, $0xb8;
	[tilespmem:$0xE080] =	vst v63  }
0x46: {  	_ = 	snop  }
0x47: {  	[hbm4b:s3+s2] =	stream.indirect_vreg.scatter [tilespmem:s11], [sflag:$0x1], $0x80, v3, vm0, $0xb8;
	[tilespmem:$0xE080] =	vst v63  }
0x48: {  	_ = 	snop  }
0x49: {  	[hbm4b:s4+s2] =	stream.indirect_vreg.scatter [tilespmem:s12], [sflag:$0x1], $0x80, v3, vm0, $0xb8;
	[tilespmem:$0xE080] =	vst v63  }
0x4a: {  	_ = 	snop  }
0x4b: {  	[hbm4b:s5+s2] =	stream.indirect_vreg.scatter [tilespmem:s13], [sflag:$0x1], $0x80, v3, vm0, $0xb8;
	[tilespmem:$0xE080] =	vst v63  }
0x4c: {  	_ = 	snop  }
0x4d: {  	[hbm4b:s6+s2] =	stream.indirect_vreg.scatter [tilespmem:s14], [sflag:$0x1], $0x80, v3, vm1, $0xb8;
	[tilespmem:$0xE080] =	vst v63  }
0x4e: {  	v3 =	vld [tilespmem:$0x20];
	_ =	sdelay $0x4  }
0x4f: {  	v62 =	vshrl.u32 v3, $0x3  }
0x50: {  	v4 =	vmul.u32 $0x38, v62  }
0x51: {  	v3 =	vand.u32 $0x7, v3  }
0x52: {  	v3 =	vor.u32 v3, v4  }
0x53: {  	v4 =	vperm.xlane v3, v0;
	_ =	sdelay $0x1  }
0x54: {  	v4 =	vadd.s32 v1, v4;
	_ =	sdelay $0x4  }
0x55: {  	[hbm4b:s3+s2] =	stream.indirect_vreg.scatter [tilespmem:s15], [sflag:$0x1], $0x80, v4, vm0, $0xb8;
	[tilespmem:$0xE080] =	vst v63  }
0x56: {  	v3 =	vperm.xlane v3, v2  }
0x57: {  	[hbm4b:s4+s2] =	stream.indirect_vreg.scatter [tilespmem:s16], [sflag:$0x1], $0x80, v4, vm0, $0xb8;
	[tilespmem:$0xE080] =	vst v63  }
0x58: {  	v3 =	vadd.s32 v1, v3  }
0x59: {  	[hbm4b:s5+s2] =	stream.indirect_vreg.scatter [tilespmem:s17], [sflag:$0x1], $0x80, v4, vm0, $0xb8;
	[tilespmem:$0xE080] =	vst v63  }
0x5a: {  	_ = 	snop  }
0x5b: {  	[hbm4b:s6+s2] =	stream.indirect_vreg.scatter [tilespmem:s18], [sflag:$0x1], $0x80, v4, vm1, $0xb8;
	[tilespmem:$0xE080] =	vst v63  }
0x5c: {  	_ = 	snop  }
0x5d: {  	[hbm4b:s3+s2] =	stream.indirect_vreg.scatter [tilespmem:s19], [sflag:$0x1], $0x80, v3, vm0, $0xb8;
	[tilespmem:$0xE080] =	vst v63  }
0x5e: {  	_ = 	snop  }
0x5f: {  	[hbm4b:s4+s2] =	stream.indirect_vreg.scatter [tilespmem:s20], [sflag:$0x1], $0x80, v3, vm0, $0xb8;
	[tilespmem:$0xE080] =	vst v63  }
0x60: {  	_ = 	snop  }
0x61: {  	[hbm4b:s5+s2] =	stream.indirect_vreg.scatter [tilespmem:s21], [sflag:$0x1], $0x80, v3, vm0, $0xb8;
	[tilespmem:$0xE080] =	vst v63  }
0x62: {  	_ = 	snop  }
0x63: {  	[hbm4b:s6+s2] =	stream.indirect_vreg.scatter [tilespmem:s22], [sflag:$0x1], $0x80, v3, vm1, $0xb8;
	[tilespmem:$0xE080] =	vst v63  }
0x64: {  	v3 =	vld [tilespmem:$0x30];
	_ =	sdelay $0x4  }
0x65: {  	v63 =	vshrl.u32 v3, $0x3  }
0x66: {  	v4 =	vmul.u32 $0x38, v63  }
0x67: {  	v3 =	vand.u32 $0x7, v3  }
0x68: {  	v3 =	vor.u32 v3, v4  }
0x69: {  	v4 =	vperm.xlane v3, v0;
	_ =	sdelay $0x1  }
0x6a: {  	v4 =	vadd.s32 v1, v4;
	_ =	sdelay $0x4  }
0x6b: {  	[hbm4b:s3+s2] =	stream.indirect_vreg.scatter [tilespmem:s23], [sflag:$0x1], $0x80, v4, vm0, $0xb8;
	[tilespmem:$0xE080] =	vst v63  }
0x6c: {  	v3 =	vperm.xlane v3, v2  }
0x6d: {  	[hbm4b:s4+s2] =	stream.indirect_vreg.scatter [tilespmem:s24], [sflag:$0x1], $0x80, v4, vm0, $0xb8;
	[tilespmem:$0xE080] =	vst v63  }
0x6e: {  	v3 =	vadd.s32 v1, v3  }
0x6f: {  	[hbm4b:s5+s2] =	stream.indirect_vreg.scatter [tilespmem:s25], [sflag:$0x1], $0x80, v4, vm0, $0xb8;
	[tilespmem:$0xE080] =	vst v63  }
0x70: {  	_ = 	snop  }
0x71: {  	[hbm4b:s6+s2] =	stream.indirect_vreg.scatter [tilespmem:s26], [sflag:$0x1], $0x80, v4, vm1, $0xb8;
	[tilespmem:$0xE080] =	vst v63  }
0x72: {  	_ = 	snop  }
0x73: {  	[hbm4b:s3+s2] =	stream.indirect_vreg.scatter [tilespmem:s28], [sflag:$0x1], $0x80, v3, vm0, $0xb8;
	[tilespmem:$0xE080] =	vst v63  }
0x74: {  	_ = 	snop  }
0x75: {  	[hbm4b:s4+s2] =	stream.indirect_vreg.scatter [tilespmem:s29], [sflag:$0x1], $0x80, v3, vm0, $0xb8;
	[tilespmem:$0xE080] =	vst v63  }
0x76: {  	p0 =	sne.s32 s7, $0x1  }
0x77: {  	[hbm4b:s5+s2] =	stream.indirect_vreg.scatter [tilespmem:s30], [sflag:$0x1], $0x80, v3, vm0, $0xb8;
	[tilespmem:$0xE080] =	vst v63  }
.Ltmp0:
0x78: {  	_ = 	snop;
	(pc) =	sbr.rel @p0 .LBB2_1-.Ltmp0, $4  }
0x79: {  	[hbm4b:s6+s2] =	stream.indirect_vreg.scatter [tilespmem:s31], [sflag:$0x1], $0x80, v3, vm1, $0xb8;
	[tilespmem:$0xE080] =	vst v63  }
0x7a: {  	_ =	swait.ge [sflag:s1], $0xE000  }
0x7b: {  	[sflag:s1] =	ssyncset.done $0x0  }
0x7c: {  	s7 =	sadd.s32 $0xFFFFFFFF, s7;
	[sflag:s1] =	ssyncadd.s32 $0xFFFF2000  }
0x7d: {  	_ =	sfence.sel $0x180000  }
0x7e: {  	[bflag:$0x0] =	sbarrier.arrive $0xFFFF  }
0x7f: {  	_ =	strace $0x90000047  }
0x80: {  	s0 =	stileid.u32;
	[bflag:$0x2] =	sbarrier.arrive $0xFFFF  }
0x81: {  	p0 =	sne.s32 s0, $0x0;
	s0 =	rddreg [dreg:$0x1]  }
0x82: {  	s0 =	sadd.s32 @!p0 $0x100000, s0  }
0x83: {  	[sflag:s0] =	ssyncadd.tile.s32 @!p0 $0x1;
	_ =	shalt  }
.Lfunc_end2:
_tile_overlayer_lowered:
.L_overlay_start_2:
0x84: {  	(tag) =	ssettag $0x2  }
0x85: {  	s0 =	rddreg [dreg:$0x0];
	s2 =	stileid.u32  }
0x86: {  	s1 =	rddreg [dreg:$0x1];
	p0 =	sne.s32 s2, $0x0  }
0x87: {  	s3 =	rddreg [dreg:$0x2];
	[bflag:$0x3] =	sbarrier.arrive $0xFFFF;
	s2 =	simm.s32 @!p0 $0x1C02  }
0x88: {  	[timem:s3], [sflag:s2] =	dma.local @!p0 [hbm:s0], s1  }
0x89: {  	s0 =	simm.s32 @!p0 $0x2  }
0x8a: {  	_ =	swait.ge @!p0 [sflag:s0], s1  }
0x8b: {  	s1 =	ssub.s32 @!p0 $0x0, s1;
	[sflag:s0] =	ssyncset.done @!p0 $0x0  }
0x8c: {  	[sflag:s0] =	ssyncadd.s32 @!p0 s1  }
0x8d: {  	[bflag:$0x3] =	sbarrier.arrive $0xFFFF  }
0x8e: {  	_ =	shalt  }

// kernel: kernel.9.cloned.1.call-start
scs
__scs_entry_jumppad:
0x0: {  	(pc) =	sbr.rel $0x88, $3  }
0x1: {  	(tag) =	ssettag $0x0;
	lr =	simm.s32 $0x1  }
0x2: {  	[smem:$0x3F9C] =	sst lr;
	_ =	strace $0xD0000000  }
0x3: {  	_ = 	snop  }
0x4: {  	_ = 	snop  }
0x5: {  	_ = 	snop  }
0x6: {  	_ = 	snop  }
0x7: {  	_ = 	snop  }
__scs_overlays_trampoline_lowered:
0x8: {  	[smem:$0x3FAB] =	sst s0  }
0x9: {  	[smem:$0x3FAC] =	sst s1  }
0xa: {  	[smem:$0x3FAD] =	sst s2  }
0xb: {  	[smem:$0x3FAE] =	sst s3  }
0xc: {  	[smem:$0x3FAF] =	sst s4  }
0xd: {  	[smem:$0x3FB0] =	sst s5  }
0xe: {  	[smem:$0x3FB1] =	sst s6  }
0xf: {  	[smem:$0x3FB2] =	sst s7  }
0x10: {  	[smem:$0x3FB3] =	sst s8  }
0x11: {  	[smem:$0x3FB4] =	sst s9;
	s0 =	simm.s32 @!p0 $0x0  }
0x12: {  	s1 =	sld [smem:$0x3F9A];
	s0 =	simm.s32 @p0 $0x1  }
0x13: {  	[smem:$0x3FB5] =	sst s0;
	s0 =	simm.s32 @!p1 $0x0  }
0x14: {  	s2 =	sld [smem:$0x3F99];
	s0 =	simm.s32 @p1 $0x1  }
0x15: {  	[smem:$0x3FB6] =	sst s0;
	s0 =	simm.s32 @!p2 $0x0  }
0x16: {  	s3 =	sld [smem:$0x3FDB];
	s0 =	simm.s32 @p2 $0x1  }
0x17: {  	s4 =	simm.s32 $0x1BF5;
	[smem:$0x3FB8] =	sst s0  }
0x18: {  	s0 =	sld [smem:$0x3F9B];
	_ =	swait.ge [sflag:s4], $0x0  }
0x19: {  	s7 =	sld [smem:$0x3F9C]  }
0x1a: {  	s8 =	sadd.s32 $0xFFFFE003, lr  }
0x1b: {  	s9 =	sadd.s32 $0xFFFFFEF7, lr;
	s5 =	simm.s32 $0xFFFFFFFF;
	p2 =	slt.u32 s8, $0xFFFFF086  }
0x1c: {  	p1 =	slt.u32 s9, $0xF7A;
	s5 =	simm.s32 @!p2 $0x0  }
0x1d: {  	s5 =	simm.s32 @p1 $0x1;
	p0 =	seq.s32 s7, s2  }
0x1e: {  	s7 =	smul.u32 @!p0 $0xF7A, s2;
	p2 =	seq.s32 @!p0 s5, $0x0  }
0x1f: {  	s9 =	smul.u32 $0xF7A, s1;
	s8 =	simm.s32 @!p0 $0x1BF5;
	p2 =	por !p2, p0  }
0x20: {  	[sflag:s8] =	ssyncset.s32 @!p0 $0xFFFFF086;
	s6 =	sadd.s32 @!p0 s3, s7;
	s7 =	simm.s32 @!p0 $0x108  }
0x21: {  	s3 =	sadd.s32 s3, s9;
	s6 =	sadd.s32 @!p0 $0x88, s6;
	s7 =	simm.s32 @p2 $0x1082  }
0x22: {  	[simem:s7], [sflag:s8] =	dma.local @!p0 [hbm:s6], $0xF7A  }
0x23: {  	s9 =	sor.u32 $0xD0000000, s2;
	s6 =	simm.s32 $0x108;
	_ =	swait.ge @!p0 [sflag:s8], $0x0  }
0x24: {  	s3 =	sadd.s32 $0x88, s3;
	s6 =	simm.s32 @!p1 $0x1082;
	[sflag:s4] =	ssyncset.s32 $0xFFFFF086  }
0x25: {  	[simem:s6], [sflag:s4] =	dma.local [hbm:s3], $0xF7A  }
0x26: {  	[smem:$0x3F9C] =	sst s1;
	(tag) =	ssettag s2;
	_ =	strace s9  }
0x27: {  	s1 =	sld [smem:$0x3FAC]  }
0x28: {  	s2 =	sld [smem:$0x3FAD]  }
0x29: {  	s4 =	sld [smem:$0x3FAF]  }
0x2a: {  	p0 =	seq.s32 s5, $0x0;
	s5 =	sld [smem:$0x3FB0]  }
0x2b: {  	s6 =	sld [smem:$0x3FB1]  }
0x2c: {  	s7 =	sld [smem:$0x3FB2]  }
0x2d: {  	s3 =	simm.s32 $0x108;
	s8 =	sld [smem:$0x3FB3]  }
0x2e: {  	s3 =	simm.s32 @!p0 $0x1082;
	s9 =	sld [smem:$0x3FB4]  }
0x2f: {  	lr =	sadd.s32 s0, s3;
	s0 =	sld [smem:$0x3FAB]  }
0x30: {  	s3 =	sld [smem:$0x3FAE]  }
0x31: {  	[smem:$0x3FB7] =	sst s10  }
0x32: {  	s10 =	sld [smem:$0x3FB5];
	_ =	sdelay $0x3  }
0x33: {  	p0 =	seq.s32 s10, $0x1;
	s10 =	sld [smem:$0x3FB7];
	_ =	sdelay $0x3  }
0x34: {  	[smem:$0x3FB7] =	sst s10  }
0x35: {  	s10 =	sld [smem:$0x3FB6];
	_ =	sdelay $0x3  }
0x36: {  	p1 =	seq.s32 s10, $0x1;
	s10 =	sld [smem:$0x3FB7];
	_ =	sdelay $0x3  }
0x37: {  	[smem:$0x3FB7] =	sst s10  }
0x38: {  	s10 =	sld [smem:$0x3FB8]  }
0x39: {  	_ = 	snop;
	(pc) =	sbr.ind lr, $3  }
0x3a: {  	_ = 	snop  }
0x3b: {  	_ = 	snop  }
0x3c: {  	p2 =	seq.s32 s10, $0x1;
	s10 =	sld [smem:$0x3FB7]  }
0x3d: {  	_ =	shalt  }
0x3e: {  	_ =	shalt  }
0x3f: {  	_ =	shalt  }
0x40: {  	_ =	shalt  }
0x41: {  	_ =	shalt  }
0x42: {  	_ =	shalt  }
0x43: {  	_ =	shalt  }
0x44: {  	_ =	shalt  }
0x45: {  	_ =	shalt  }
0x46: {  	_ =	shalt  }
0x47: {  	_ =	shalt  }
0x48: {  	_ =	shalt  }
0x49: {  	_ =	shalt  }
0x4a: {  	_ =	shalt  }
0x4b: {  	_ =	shalt  }
0x4c: {  	_ =	shalt  }
0x4d: {  	_ =	shalt  }
0x4e: {  	_ =	shalt  }
0x4f: {  	_ =	shalt  }
0x50: {  	_ =	shalt  }
0x51: {  	_ =	shalt  }
0x52: {  	_ =	shalt  }
0x53: {  	_ =	shalt  }
0x54: {  	_ =	shalt  }
0x55: {  	_ =	shalt  }
0x56: {  	_ =	shalt  }
0x57: {  	_ =	shalt  }
0x58: {  	_ =	shalt  }
0x59: {  	_ =	shalt  }
0x5a: {  	_ =	shalt  }
0x5b: {  	_ =	shalt  }
0x5c: {  	_ =	shalt  }
0x5d: {  	_ =	shalt  }
0x5e: {  	_ =	shalt  }
0x5f: {  	_ =	shalt  }
0x60: {  	_ =	shalt  }
0x61: {  	_ =	shalt  }
0x62: {  	_ =	shalt  }
0x63: {  	_ =	shalt  }
0x64: {  	_ =	shalt  }
0x65: {  	_ =	shalt  }
0x66: {  	_ =	shalt  }
0x67: {  	_ =	shalt  }
0x68: {  	_ =	shalt  }
0x69: {  	_ =	shalt  }
0x6a: {  	_ =	shalt  }
0x6b: {  	_ =	shalt  }
0x6c: {  	_ =	shalt  }
0x6d: {  	_ =	shalt  }
0x6e: {  	_ =	shalt  }
0x6f: {  	_ =	shalt  }
0x70: {  	_ =	shalt  }
0x71: {  	_ =	shalt  }
0x72: {  	_ =	shalt  }
0x73: {  	_ =	shalt  }
0x74: {  	_ =	shalt  }
0x75: {  	_ =	shalt  }
0x76: {  	_ =	shalt  }
0x77: {  	_ =	shalt  }
0x78: {  	_ =	shalt  }
0x79: {  	_ =	shalt  }
0x7a: {  	_ =	shalt  }
0x7b: {  	_ =	shalt  }
0x7c: {  	_ =	shalt  }
0x7d: {  	_ =	shalt  }
0x7e: {  	_ =	shalt  }
0x7f: {  	_ =	shalt  }
0x80: {  	_ =	shalt  }
0x81: {  	_ =	shalt  }
0x82: {  	_ =	shalt  }
0x83: {  	_ =	shalt  }
0x84: {  	_ =	shalt  }
0x85: {  	_ =	shalt  }
0x86: {  	_ =	shalt  }
0x87: {  	_ =	shalt  }
.Lfunc_end0:
.L_simem_size_0:
called_computation.1_lowered:
.L_overlay_start_0:
0x88: {  	s2 =	sld [smem:$0x3FD9]  }
0x89: {  	s3 =	sld [smem:$0x3FFE];
	_ =	sdelay $0x1  }
0x8a: {  	s1 =	srdreg.scid  }
0x8b: {  	s0 =	sand.u32 $0x1, s1  }
0x8c: {  	s14 =	sshll.u32 s0, $0xA;
	s2 =	sadd.s32 s3, s2  }
0x8d: {  	s2 =	sadd.s32 s2, s14  }
0x8e: {  	[smem:$0x3FC3] =	sst s2  }
0x8f: {  	_ = 	snop  }
0x90: {  	s2 =	sld [smem:$0x3FD0];
	_ =	sdelay $0x2  }
0x91: {  	s15 =	simm.s32 $0xA;
	s4 =	simm.s32 $0x10  }
0x92: {  	[smem:s4], [sflag:s15] =	dma.local [hbm:s2], $0x1  }
0x93: {  	_ =	swait.eq [sflag:s15], $0x1  }
0x94: {  	[sflag:s15] =	ssyncset.done $0x0  }
0x95: {  	[sflag:s15] =	ssyncadd.s32 $0xFFFFFFFF  }
0x96: {  	s16 =	sld [smem:$0x10];
	(tm) =	ssettm $0x1  }
0x97: {  	s17 =	sld [smem:$0x3FFB];
	_ =	sdelay $0x3  }
0x98: {  	_ =	strace s17  }
0x99: {  	s3 =	sld [smem:$0x3FFC];
	_ =	sdelay $0x3  }
0x9a: {  	_ =	strace s3  }
0x9b: {  	s3 =	sld [smem:$0x3FFD];
	_ =	sdelay $0x3  }
0x9c: {  	_ =	strace s3  }
0x9d: {  	_ =	strace $0x8FFFFFFF  }
0x9e: {  	s18 =	sld [smem:$0x3FDB];
	_ =	sdelay $0x1  }
0x9f: {  	s19 =	simm.s32 $_scs_section_size  }
0xa0: {  	s5 =	simm.s32 $_size__tile_overlayer_lowered;
	s6 =	simm.s32 $_tile_overlayer_lowered  }
0xa1: {  	s22 =	simm.s32 $0x1BFF;
	s21 =	sshll.u32 s6, $0x1;
	s3 =	sadd.s32 s19, s18  }
0xa2: {  	s7 =	simm.s32 $0x0;
	s20 =	sshll.u32 s5, $0x1;
	s5 =	sadd.s32 s21, s3  }
0xa3: {  	[timem:s7], [sflag:s22] =	dma.local [hbm:s5], s20  }
0xa4: {  	_ =	swait.ge [sflag:s22], s20  }
0xa5: {  	s4 =	ssub.s32 $0x0, s20;
	[sflag:s22] =	ssyncset.done $0x0  }
0xa6: {  	[sflag:s22] =	ssyncadd.s32 s4;
	_ =	sdelay $0x1  }
0xa7: {  	s23 =	simm.s32 $0x1B8B  }
0xa8: {  	_ =	swait.ge [sflag:s23], $0x1  }
0xa9: {  	[sflag:s23] =	ssyncset.done $0x0  }
0xaa: {  	s25 =	simm.s32 $0x1B8E;
	s24 =	sld [smem:$0x3FFE];
	[sflag:s23] =	ssyncadd.s32 $0xFFFFFFFF  }
0xab: {  	s26 =	simm.s32 $execute0_lowered;
	[smem:$0x3FD2] =	sst s25  }
0xac: {  	s5 =	sshll.u32 s26, $0x1;
	_ =	strace $0x80000049;
	[dreg:$0x1] =	wrdreg $0xFFFFFFFF  }
0xad: {  	s28 =	simm.s32 $_size_execute0_lowered;
	s3 =	sadd.s32 s3, s5;
	[dreg:$0x0] =	wrdreg $0x0  }
0xae: {  	s5 =	sshll.u32 s28, $0x1;
	[dreg:$0x2] =	wrdreg s3  }
0xaf: {  	[dreg:$0x3] =	wrdreg s5  }
0xb0: {  	[dreg:$0x4] =	wrdreg $0xC0  }
0xb1: {  	_ =	task [dreg:s7], $0x5FFFF  }
0xb2: {  	[dreg:$0x1] =	wrdreg $0xFFFFFFFF  }
0xb3: {  	[dreg:$0x0] =	wrdreg $0x60  }
0xb4: {  	[dreg:$0x2] =	wrdreg s24  }
0xb5: {  	[dreg:$0x3] =	wrdreg s16  }
0xb6: {  	[dreg:$0x4] =	wrdreg $0x9  }
0xb7: {  	_ =	task.clear_ibuf [dreg:s7], $0x5FFFF;
	_ =	strace $0x90000049  }
0xb8: {  	s29 =	simm.s32 $0x9;
	_ =	strace $0x8000004B  }
0xb9: {  	_ =	swait.ge [sflag:s29], $0x1  }
0xba: {  	[sflag:s29] =	ssyncadd.s32 $0xFFFFFFFF  }
0xbb: {  	_ =	strace $0x9000004B  }
0xbc: {  	_ =	sfence  }
0xbd: {  	s30 =	sld [smem:$0x0];
	_ =	sdelay $0x2  }
0xbe: {  	s31 =	sshll.u32 s1, $0xD;
	s1 =	sshrl.u32 s1, $0x2  }
0xbf: {  	s3 =	sand.u32 $0x4000, s31;
	s1 =	sadd.s32 s1, s30  }
0xc0: {  	s0 =	sor.u32 s3, s0;
	s1 =	sshll.u32 s1, $0x11  }
0xc1: {  	s0 =	sor.u32 s1, s0  }
0xc2: {  	s0 =	sadd.s32 $0x8F2B, s0  }
0xc3: {  	[sflag:s0] =	ssyncadd.remote.s32 $0x1  }
0xc4: {  	_ =	sfence.sel $0xFFFF  }
0xc5: {  	[dreg:$0x0] =	wrdreg $0xFFFFFFFF;
	(pc) =	sbr.abs _section_cstart, $3  }
0xc6: {  	[dreg:$0x1] =	wrdreg $0xFFFFFFFF  }
0xc7: {  	_ =	task.clear_ibuf [dreg:s7], $0x2FFFF;
	_ =	strace $0x9FFFFFFF  }
0xc8: {  	(tm) =	ssettm $0x7FFFFFFF  }
0xc9: {  	_ =	shalt  }
tec
execute0_lowered:
.L_overlay_start_1:
0x0: {  	(tag) =	ssettag $0x1  }
0x1: {  	s0 =	rddreg [dreg:$0x0]  }
0x2: {  	s5 =	rddreg [dreg:$0x1];
	s3 =	srdreg.scid  }
0x3: {  	s2 =	simm.s32 $0x0;
	s1 =	stileid.u32;
	s26 =	simm.s32 $0x880  }
0x4: {  	s10 =	simm.s32 $0x1880;
	s11 =	simm.s32 $0x2080;
	s12 =	simm.s32 $0x2880  }
0x5: {  	s13 =	simm.s32 $0x3080;
	s14 =	simm.s32 $0x3880;
	s15 =	simm.s32 $0x4080  }
0x6: {  	s16 =	simm.s32 $0x4880;
	s17 =	simm.s32 $0x5080;
	s18 =	simm.s32 $0x5880  }
0x7: {  	s19 =	simm.s32 $0x6080;
	s20 =	simm.s32 $0x6880;
	s21 =	simm.s32 $0x7080  }
0x8: {  	s22 =	simm.s32 $0x7880;
	s28 =	simm.s32 $0xA080;
	s29 =	simm.s32 $0xA880  }
0x9: {  	s30 =	simm.s32 $0xB080;
	s31 =	simm.s32 $0xB880;
	s3 =	sand.u32 $0x1, s3  }
0xa: {  	[smem:$0x7FF] =	sst s2;
	s4 =	sshll.u32 s1, $0x4;
	s6 =	sshll.u32 s3, $0x3  }
0xb: {  	_ =	strace $0x8000004A;
	s23 =	ssub.s32 $0x2, s3;
	s3 =	sadd.s32 $0x800, s0  }
0xc: {  	[dreg:$0x5] =	wrdreg s26;
	s26 =	simm.s32 $0x9880;
	s4 =	sor.u32 s6, s4  }
0xd: {  	s8 =	sshrl.u32 s23, $0x1;
	s7 =	sadd.s32 s4, s0;
	s9 =	smul.u32 $0x300, s4  }
0xe: {  	s6 =	ssub.s32 s23, s8;
	s4 =	sadd.s32 $0x900, s0;
	s8 =	simm.s32 $0x80  }
0xf: {  	s23 =	simm.s32 $0x8080;
	s24 =	sadd.s32 $0x38800, s7;
	s6 =	smax.u32 s6, $0x1  }
0x10: {  	v2 =	vlaneseq.u32;
	s7 =	simm.s32 $0x2;
	[dreg:$0x3] =	wrdreg s24;
	s25 =	sadd.s32 s5, s9  }
0x11: {  	vm0 =	vmmov $0xffff;
	v1 =	vshrl.u32 v2, $0x3;
	s5 =	sadd.s32 $0xA00, s0;
	s9 =	simm.s32 $0x1080;
	s24 =	simm.s32 $0x8880  }
0x12: {  	v0 =	vand.u32 $0x7, v2;
	v2 =	vor.u32 $0x8, v2;
	v1 =	vmul.u32 $0x8, v1;
	s0 =	simm.s32 $0x1;
	[dreg:$0x4] =	wrdreg s25;
	s25 =	simm.s32 $0x9080  }
.LBB2_1:
0x13: {  	s1 =	rddreg [dreg:$0x3]  }
0x14: {  	[tilespmem:s2], [sflag:$0x2] =	stream.linear.gather [hbm4b:s1+s2], $0x40, $0x38;
	[tilespmem:$0xC080] =	vst v63  }
0x15: {  	_ =	swait.ge [sflag:s7], $0x40  }
0x16: {  	[sflag:s7] =	ssyncset.done $0x0  }
0x17: {  	[sflag:s7] =	ssyncadd.s32 $0xFFFFFFC0  }
0x18: {  	v3 =	vld [tilespmem:$0x0];
	_ =	sdelay $0x4  }
0x19: {  	v4 =	vshrl.u32 v3, $0x3  }
0x1a: {  	v4 =	vmul.u32 $0x30, v4  }
0x1b: {  	v3 =	vand.u32 $0x7, v3  }
0x1c: {  	v3 =	vor.u32 v3, v4  }
0x1d: {  	v4 =	vperm.xlane v3, v0;
	_ =	sdelay $0x1  }
0x1e: {  	v4 =	vadd.s32 v1, v4;
	_ =	sdelay $0x3  }
0x1f: {  	v3 =	vperm.xlane v3, v2  }
0x20: {  	[tilespmem:s8], [sflag:$0x1] =	stream.indirect_vreg.gather [hbm4b:s3+s2], $0x80, v4, vm0, $0xb8;
	[tilespmem:$0xC080] =	vst v63  }
0x21: {  	s1 =	rddreg [dreg:$0x5];
	v3 =	vadd.s32 v1, v3  }
0x22: {  	[tilespmem:s1], [sflag:$0x1] =	stream.indirect_vreg.gather [hbm4b:s4+s2], $0x80, v4, vm0, $0xb8;
	[tilespmem:$0xC080] =	vst v63  }
0x23: {  	_ = 	snop  }
0x24: {  	[tilespmem:s9], [sflag:$0x1] =	stream.indirect_vreg.gather [hbm4b:s5+s2], $0x80, v4, vm0, $0xb8;
	[tilespmem:$0xC080] =	vst v63  }
0x25: {  	_ = 	snop  }
0x26: {  	[tilespmem:s10], [sflag:$0x1] =	stream.indirect_vreg.gather [hbm4b:s3+s2], $0x80, v3, vm0, $0xb8;
	[tilespmem:$0xC080] =	vst v63  }
0x27: {  	_ = 	snop  }
0x28: {  	[tilespmem:s11], [sflag:$0x1] =	stream.indirect_vreg.gather [hbm4b:s4+s2], $0x80, v3, vm0, $0xb8;
	[tilespmem:$0xC080] =	vst v63  }
0x29: {  	_ = 	snop  }
0x2a: {  	[tilespmem:s12], [sflag:$0x1] =	stream.indirect_vreg.gather [hbm4b:s5+s2], $0x80, v3, vm0, $0xb8;
	[tilespmem:$0xC080] =	vst v63  }
0x2b: {  	v3 =	vld [tilespmem:$0x10];
	_ =	sdelay $0x4  }
0x2c: {  	v61 =	vshrl.u32 v3, $0x3  }
0x2d: {  	v4 =	vmul.u32 $0x30, v61  }
0x2e: {  	v3 =	vand.u32 $0x7, v3  }
0x2f: {  	v3 =	vor.u32 v3, v4  }
0x30: {  	v4 =	vperm.xlane v3, v0;
	_ =	sdelay $0x1  }
0x31: {  	v4 =	vadd.s32 v1, v4;
	_ =	sdelay $0x3  }
0x32: {  	v3 =	vperm.xlane v3, v2  }
0x33: {  	[tilespmem:s13], [sflag:$0x1] =	stream.indirect_vreg.gather [hbm4b:s3+s2], $0x80, v4, vm0, $0xb8;
	[tilespmem:$0xC080] =	vst v63  }
0x34: {  	v3 =	vadd.s32 v1, v3  }
0x35: {  	[tilespmem:s14], [sflag:$0x1] =	stream.indirect_vreg.gather [hbm4b:s4+s2], $0x80, v4, vm0, $0xb8;
	[tilespmem:$0xC080] =	vst v63  }
0x36: {  	_ = 	snop  }
0x37: {  	[tilespmem:s15], [sflag:$0x1] =	stream.indirect_vreg.gather [hbm4b:s5+s2], $0x80, v4, vm0, $0xb8;
	[tilespmem:$0xC080] =	vst v63  }
0x38: {  	_ = 	snop  }
0x39: {  	[tilespmem:s16], [sflag:$0x1] =	stream.indirect_vreg.gather [hbm4b:s3+s2], $0x80, v3, vm0, $0xb8;
	[tilespmem:$0xC080] =	vst v63  }
0x3a: {  	_ = 	snop  }
0x3b: {  	[tilespmem:s17], [sflag:$0x1] =	stream.indirect_vreg.gather [hbm4b:s4+s2], $0x80, v3, vm0, $0xb8;
	[tilespmem:$0xC080] =	vst v63  }
0x3c: {  	_ = 	snop  }
0x3d: {  	[tilespmem:s18], [sflag:$0x1] =	stream.indirect_vreg.gather [hbm4b:s5+s2], $0x80, v3, vm0, $0xb8;
	[tilespmem:$0xC080] =	vst v63  }
0x3e: {  	v3 =	vld [tilespmem:$0x20];
	_ =	sdelay $0x4  }
0x3f: {  	v62 =	vshrl.u32 v3, $0x3  }
0x40: {  	v4 =	vmul.u32 $0x30, v62  }
0x41: {  	v3 =	vand.u32 $0x7, v3  }
0x42: {  	v3 =	vor.u32 v3, v4  }
0x43: {  	v4 =	vperm.xlane v3, v0;
	_ =	sdelay $0x1  }
0x44: {  	v4 =	vadd.s32 v1, v4;
	_ =	sdelay $0x3  }
0x45: {  	v3 =	vperm.xlane v3, v2  }
0x46: {  	[tilespmem:s19], [sflag:$0x1] =	stream.indirect_vreg.gather [hbm4b:s3+s2], $0x80, v4, vm0, $0xb8;
	[tilespmem:$0xC080] =	vst v63  }
0x47: {  	v3 =	vadd.s32 v1, v3  }
0x48: {  	[tilespmem:s20], [sflag:$0x1] =	stream.indirect_vreg.gather [hbm4b:s4+s2], $0x80, v4, vm0, $0xb8;
	[tilespmem:$0xC080] =	vst v63  }
0x49: {  	_ = 	snop  }
0x4a: {  	[tilespmem:s21], [sflag:$0x1] =	stream.indirect_vreg.gather [hbm4b:s5+s2], $0x80, v4, vm0, $0xb8;
	[tilespmem:$0xC080] =	vst v63  }
0x4b: {  	_ = 	snop  }
0x4c: {  	[tilespmem:s22], [sflag:$0x1] =	stream.indirect_vreg.gather [hbm4b:s3+s2], $0x80, v3, vm0, $0xb8;
	[tilespmem:$0xC080] =	vst v63  }
0x4d: {  	_ = 	snop  }
0x4e: {  	[tilespmem:s23], [sflag:$0x1] =	stream.indirect_vreg.gather [hbm4b:s4+s2], $0x80, v3, vm0, $0xb8;
	[tilespmem:$0xC080] =	vst v63  }
0x4f: {  	_ = 	snop  }
0x50: {  	[tilespmem:s24], [sflag:$0x1] =	stream.indirect_vreg.gather [hbm4b:s5+s2], $0x80, v3, vm0, $0xb8;
	[tilespmem:$0xC080] =	vst v63  }
0x51: {  	v3 =	vld [tilespmem:$0x30];
	_ =	sdelay $0x4  }
0x52: {  	v63 =	vshrl.u32 v3, $0x3  }
0x53: {  	v4 =	vmul.u32 $0x30, v63  }
0x54: {  	v3 =	vand.u32 $0x7, v3  }
0x55: {  	v3 =	vor.u32 v3, v4  }
0x56: {  	v4 =	vperm.xlane v3, v0;
	_ =	sdelay $0x1  }
0x57: {  	v4 =	vadd.s32 v1, v4;
	_ =	sdelay $0x3  }
0x58: {  	v3 =	vperm.xlane v3, v2  }
0x59: {  	[tilespmem:s25], [sflag:$0x1] =	stream.indirect_vreg.gather [hbm4b:s3+s2], $0x80, v4, vm0, $0xb8;
	[tilespmem:$0xC080] =	vst v63  }
0x5a: {  	v3 =	vadd.s32 v1, v3  }
0x5b: {  	[tilespmem:s26], [sflag:$0x1] =	stream.indirect_vreg.gather [hbm4b:s4+s2], $0x80, v4, vm0, $0xb8;
	[tilespmem:$0xC080] =	vst v63  }
0x5c: {  	_ = 	snop  }
0x5d: {  	[tilespmem:s28], [sflag:$0x1] =	stream.indirect_vreg.gather [hbm4b:s5+s2], $0x80, v4, vm0, $0xb8;
	[tilespmem:$0xC080] =	vst v63  }
0x5e: {  	_ = 	snop  }
0x5f: {  	[tilespmem:s29], [sflag:$0x1] =	stream.indirect_vreg.gather [hbm4b:s3+s2], $0x80, v3, vm0, $0xb8;
	[tilespmem:$0xC080] =	vst v63  }
0x60: {  	_ = 	snop  }
0x61: {  	[tilespmem:s30], [sflag:$0x1] =	stream.indirect_vreg.gather [hbm4b:s4+s2], $0x80, v3, vm0, $0xb8;
	[tilespmem:$0xC080] =	vst v63  }
0x62: {  	_ = 	snop  }
0x63: {  	[tilespmem:s31], [sflag:$0x1] =	stream.indirect_vreg.gather [hbm4b:s5+s2], $0x80, v3, vm0, $0xb8;
	[tilespmem:$0xC080] =	vst v63  }
0x64: {  	_ =	swait.ge [sflag:s0], $0xC000  }
0x65: {  	p0 =	sne.s32 s6, $0x1;
	[sflag:s0] =	ssyncset.done $0x0  }
.Ltmp0:
0x66: {  	s1 =	rddreg [dreg:$0x4];
	[sflag:s0] =	ssyncadd.s32 $0xFFFF4000;
	(pc) =	sbr.rel @p0 .LBB2_1-.Ltmp0, $4  }
0x67: {  	[hbm4b:s1+s2] =	stream.linear.scatter [tilespmem:s8], [sflag:$0x2], $0xC000, $0x38;
	[tilespmem:$0xC080] =	vst v63  }
0x68: {  	_ =	swait.ge [sflag:s7], $0xC000  }
0x69: {  	[sflag:s7] =	ssyncset.done $0x0  }
0x6a: {  	s6 =	sadd.s32 $0xFFFFFFFF, s6;
	[sflag:s7] =	ssyncadd.s32 $0xFFFF4000  }
0x6b: {  	_ =	sfence.sel $0x180000  }
0x6c: {  	[bflag:$0x0] =	sbarrier.arrive $0xFFFF  }
0x6d: {  	_ =	strace $0x9000004A  }
0x6e: {  	s0 =	stileid.u32;
	[bflag:$0x2] =	sbarrier.arrive $0xFFFF  }
0x6f: {  	p0 =	sne.s32 s0, $0x0;
	s0 =	rddreg [dreg:$0x2]  }
0x70: {  	s0 =	sadd.s32 @!p0 $0x100000, s0  }
0x71: {  	[sflag:s0] =	ssyncadd.tile.s32 @!p0 $0x1;
	_ =	shalt  }
.Lfunc_end2:
_tile_overlayer_lowered:
.L_overlay_start_2:
0x72: {  	(tag) =	ssettag $0x2  }
0x73: {  	s0 =	rddreg [dreg:$0x0];
	s2 =	stileid.u32  }
0x74: {  	s1 =	rddreg [dreg:$0x1];
	p0 =	sne.s32 s2, $0x0  }
0x75: {  	s3 =	rddreg [dreg:$0x2];
	[bflag:$0x3] =	sbarrier.arrive $0xFFFF;
	s2 =	simm.s32 @!p0 $0x1C02  }
0x76: {  	[timem:s3], [sflag:s2] =	dma.local @!p0 [hbm:s0], s1  }
0x77: {  	s0 =	simm.s32 @!p0 $0x2  }
0x78: {  	_ =	swait.ge @!p0 [sflag:s0], s1  }
0x79: {  	s1 =	ssub.s32 @!p0 $0x0, s1;
	[sflag:s0] =	ssyncset.done @!p0 $0x0  }
0x7a: {  	[sflag:s0] =	ssyncadd.s32 @!p0 s1  }
0x7b: {  	[bflag:$0x3] =	sbarrier.arrive $0xFFFF  }
0x7c: {  	_ =	shalt  }

</sc_bundles>
